<compile_context>
chip_gen: v7x
topology: tpu7x:2x2x1
jax: 0.10.2.dev20260603
libtpu: 0.0.44.dev20260713+nightly
codegen_flags: <defaults>
</compile_context>

<pallas_src>
import jax
import jax.numpy as jnp
from jax import lax
from jax.experimental import pallas as pl
from jax.experimental.pallas import tpu as pltpu
from jax.experimental.pallas import tpu_sc as plsc

COMMITMENT_COST = 0.25

ROW_BLOCK = 256

_SC_CORES = 2
_SC_SUBCORES = 16
_NW = _SC_CORES * _SC_SUBCORES
_LANES = 16


def _dist_argmin_body(x_ref, cb_ref, idx_ref, e2_ref):
    i = pl.program_id(0)

    @pl.when(i == 0)
    def _():
        cb0 = cb_ref[...]
        e2_ref[...] = jnp.sum(cb0 ** 2, axis=1)

    x = x_ref[...]
    cb = cb_ref[...]
    x2 = jnp.sum(x ** 2, axis=1, keepdims=True)
    mm = lax.dot_general(x, cb, (((1,), (1,)), ((), ())))
    dists = x2 - 2.0 * mm + e2_ref[...][None, :]
    idx_ref[0, 0, :] = jnp.argmin(dists, axis=1).astype(jnp.int32)


def _dist_argmin(flat, codebook):
    n, d = flat.shape
    k = codebook.shape[0]
    idx3 = pl.pallas_call(
        _dist_argmin_body,
        grid=(n // ROW_BLOCK,),
        in_specs=[
            pl.BlockSpec((ROW_BLOCK, d), lambda i: (i, 0)),
            pl.BlockSpec((k, d), lambda i: (0, 0)),
        ],
        out_specs=pl.BlockSpec((1, 1, ROW_BLOCK), lambda i: (i, 0, 0)),
        out_shape=jax.ShapeDtypeStruct((n // ROW_BLOCK, 1, ROW_BLOCK),
                                       jnp.int32),
        scratch_shapes=[pltpu.VMEM((k,), jnp.float32)],
    )(flat, codebook)
    return idx3.reshape(n)


def _gather_st_body(cb_hbm, idx_hbm, z_hbm, out_hbm, part_hbm,
                    idx_v, rows_v, z_v, acc_v, sem):
    wid = lax.axis_index("s") * _SC_CORES + lax.axis_index("c")
    bpw = idx_v.shape[0]
    d = rows_v.shape[1]
    base = wid * bpw
    pltpu.sync_copy(idx_hbm.at[pl.ds(base, bpw)], idx_v)
    pltpu.async_copy(cb_hbm.at[idx_v], rows_v, sem).wait()
    half = bpw // 2
    acc = jnp.zeros((_LANES,), jnp.float32)
    for c in range(2):
        pltpu.sync_copy(z_hbm.at[pl.ds(base + c * half, half)], z_v)

        def body(r, a, c=c):
            row = c * half + r
            for v in range(d // _LANES):
                qv = rows_v[row, pl.ds(v * _LANES, _LANES)]
                zv = z_v[r, pl.ds(v * _LANES, _LANES)]
                dv = qv - zv
                rows_v[row, pl.ds(v * _LANES, _LANES)] = zv + dv
                a = a + dv * dv
            return a

        acc = lax.fori_loop(0, half, body, acc)
    acc_v[...] = acc
    pltpu.sync_copy(rows_v, out_hbm.at[pl.ds(base, bpw)])
    pltpu.sync_copy(acc_v, part_hbm.at[wid])


def _gather_st(codebook, idx, flat):
    n = idx.shape[0]
    d = codebook.shape[1]
    bpw = n // _NW
    mesh = plsc.VectorSubcoreMesh(core_axis_name="c", subcore_axis_name="s")
    return pl.kernel(
        _gather_st_body,
        out_type=(jax.ShapeDtypeStruct((n, d), jnp.float32),
                  jax.ShapeDtypeStruct((_NW, _LANES), jnp.float32)),
        mesh=mesh,
        scratch_types=[
            pltpu.VMEM((bpw,), jnp.int32),
            pltpu.VMEM((bpw, d), jnp.float32),
            pltpu.VMEM((bpw // 2, d), jnp.float32),
            pltpu.VMEM((_LANES,), jnp.float32),
            pltpu.SemaphoreType.DMA,
        ],
    )(codebook, idx, flat)


def kernel(z, codebook):
    B, D, H, W = z.shape
    z_perm = jnp.transpose(z, (0, 2, 3, 1))
    flat = z_perm.reshape(-1, D)
    idx = _dist_argmin(flat, codebook)
    q_st, partials = _gather_st(codebook, idx, flat)
    cl = jnp.sum(partials) / jnp.float32(flat.size)
    loss = cl + COMMITMENT_COST * cl
    quantized = jnp.transpose(q_st.reshape(B, H, W, D), (0, 3, 1, 2))
    indices = idx.reshape(B, H, W)
    return quantized, loss, indices

# --- scband reference (transcript-rebuilt; emitter-appended) ---
"""Pipeline reference for scband-vector-quantizer-68375879352379 (READ-ONLY COPY).

The authoritative reference and input builder live on the scoring server;
editing this copy changes nothing except your own understanding.
"""

import jax, jax.numpy as jnp
import numpy as np

NUM_EMBEDDINGS = 8192
EMBEDDING_DIM = 256
COMMITMENT_COST = 0.25


def setup_inputs(seed: int = 0) -> dict:
    key = jax.random.key(seed)
    k1, k2 = jax.random.split(key)
    z = jax.random.normal(k1, (8, 256, 32, 32), dtype=jnp.float32)
    codebook = jax.random.normal(k2, (NUM_EMBEDDINGS, EMBEDDING_DIM), dtype=jnp.float32) * 0.02
    return {"z": z, "codebook": codebook}


def reference(z, codebook):
    B, D, H, W = z.shape
    # (B, D, H, W) -> (B, H, W, D) -> (BHW, D)
    z_perm = jnp.transpose(z, (0, 2, 3, 1))
    flat = z_perm.reshape(-1, D)
    # Squared L2 distances to each codebook entry: ||x||^2 - 2 x.e + ||e||^2
    dists = (
        jnp.sum(flat ** 2, axis=1, keepdims=True)
        - 2.0 * (flat @ codebook.T)
        + jnp.sum(codebook ** 2, axis=1)[None, :]
    )
    idx = jnp.argmin(dists, axis=1)
    q = jnp.take(codebook, idx, axis=0).reshape(B, H, W, D)
    # VQ-VAE losses
    codebook_loss = jnp.mean((q - jax.lax.stop_gradient(z_perm)) ** 2)
    commit_loss = jnp.mean((jax.lax.stop_gradient(q) - z_perm) ** 2)
    loss = codebook_loss + COMMITMENT_COST * commit_loss
    # Straight-through estimator
    q_st = z_perm + jax.lax.stop_gradient(q - z_perm)
    quantized = jnp.transpose(q_st, (0, 3, 1, 2))
    indices = idx.reshape(B, H, W)
    return quantized, loss, indices

if __name__ == "__main__":
    import jax
    _d = setup_inputs()
    print(jax.jit(kernel)(*tuple(_d.values())))

</pallas_src>

<mosaic_0001>
#map = affine_map<(d0, d1) -> (0, 0)>
#map1 = affine_map<(d0, d1) -> (0)>
module attributes {stable_mosaic.version = 14 : i64} {
  func.func @_gather_st_body(%arg0: i32, %arg1: i32, %arg2: memref<8192x256xf32, #tpu.memory_space<hbm>>, %arg3: memref<8192xi32, #tpu.memory_space<hbm>>, %arg4: memref<8192x256xf32, #tpu.memory_space<hbm>>, %arg5: memref<8192x256xf32, #tpu.memory_space<hbm>>, %arg6: memref<32x16xf32, #tpu.memory_space<hbm>>, %arg7: memref<256xi32, #tpu.memory_space<vmem>>, %arg8: memref<256x256xf32, #tpu.memory_space<vmem>>, %arg9: memref<128x256xf32, #tpu.memory_space<vmem>>, %arg10: memref<16xf32, #tpu.memory_space<vmem>>, %arg11: memref<!tpu.dma_semaphore, #tpu.memory_space<semaphore_mem>>) attributes {dimension_semantics = [#tpu.dimension_semantics<core_parallel>, #tpu.dimension_semantics<subcore_parallel>], iteration_bounds = array<i64: 2, 16>, scalar_prefetch = 0 : i64, scratch_operands = 5 : i64, tpu.core_type = #tpu.core_type<sc_vector_subcore>, window_params = [{transform_indices = #map}, {transform_indices = #map1}, {transform_indices = #map}, {transform_indices = #map}, {transform_indices = #map}]} {
    %mul3A = arith.constant 2 : i32
    %mul3A_0 = arith.muli %arg1, %mul3A : i32
    %add3A = arith.addi %mul3A_0, %arg0 : i32
    %mul3A_1 = arith.constant 256 : i32
    %mul3A_2 = arith.muli %add3A, %mul3A_1 : i32
    "tpu.region"() ({
      %run_scoped3A = tpu.sem_alloc : memref<!tpu.dma_semaphore, #tpu.memory_space<semaphore_mem>>
      %dma_start3A_26 = tpu.memref_slice %arg3[%mul3A_2] : memref<8192xi32, #tpu.memory_space<hbm>> -> memref<256xi32, #tpu.memory_space<hbm>>
      %dma_start3A_27 = tpu.memref_slice %arg3[%mul3A_2] : memref<8192xi32, #tpu.memory_space<hbm>> -> memref<256xi32, #tpu.memory_space<hbm>>
      tpu.enqueue_dma source(%dma_start3A_27 : memref<256xi32, #tpu.memory_space<hbm>>) target(%arg7 : memref<256xi32, #tpu.memory_space<vmem>>) target_semaphore(%run_scoped3A : memref<!tpu.dma_semaphore, #tpu.memory_space<semaphore_mem>>)
      %dma_wait3A_28 = tpu.memref_slice %arg3[%mul3A_2] : memref<8192xi32, #tpu.memory_space<hbm>> -> memref<256xi32, #tpu.memory_space<hbm>>
      %dma_wait3A_29 = tpu.memref_slice %arg3[%mul3A_2] : memref<8192xi32, #tpu.memory_space<hbm>> -> memref<256xi32, #tpu.memory_space<hbm>>
      tpu.wait_dma2 semaphore(%run_scoped3A : memref<!tpu.dma_semaphore, #tpu.memory_space<semaphore_mem>>) src(%dma_wait3A_29 : memref<256xi32, #tpu.memory_space<hbm>>) dst(%arg7 : memref<256xi32, #tpu.memory_space<vmem>>)
      tpu.yield
    }) : () -> ()
    %dma_start3A = arith.constant 0 : i32
    %dma_start3A_3 = arith.constant 0 : i32
    %dma_start3A_4 = tpu.memref_slice %arg2[%dma_start3A, %dma_start3A_3] : memref<8192x256xf32, #tpu.memory_space<hbm>> -> memref<8192x256xf32, #tpu.memory_space<hbm>>
    tpu.enqueue_indirect_dma source(%dma_start3A_4 : memref<8192x256xf32, #tpu.memory_space<hbm>>) target(%arg8 : memref<256x256xf32, #tpu.memory_space<vmem>>) offsets(%arg7 : memref<256xi32, #tpu.memory_space<vmem>>) semaphore(%arg11 : memref<!tpu.dma_semaphore, #tpu.memory_space<semaphore_mem>>)
    %dma_wait3A = arith.constant 0 : i32
    %dma_wait3A_5 = arith.constant 0 : i32
    %dma_wait3A_6 = tpu.memref_slice %arg2[%dma_wait3A, %dma_wait3A_5] : memref<8192x256xf32, #tpu.memory_space<hbm>> -> memref<8192x256xf32, #tpu.memory_space<hbm>>
    tpu.wait_indirect_dma semaphore(%arg11 : memref<!tpu.dma_semaphore, #tpu.memory_space<semaphore_mem>>) src(%dma_wait3A_6 : memref<8192x256xf32, #tpu.memory_space<hbm>>) dst(%arg8 : memref<256x256xf32, #tpu.memory_space<vmem>>)
    %broadcast_in_dim3A = arith.constant 0.000000e+00 : f32
    %broadcast_in_dim3A_7 = vector.broadcast %broadcast_in_dim3A : f32 to vector<16xf32>
    %add3A_8 = arith.constant 0 : i32
    %add3A_9 = arith.addi %mul3A_2, %add3A_8 : i32
    "tpu.region"() ({
      %run_scoped3A = tpu.sem_alloc : memref<!tpu.dma_semaphore, #tpu.memory_space<semaphore_mem>>
      %dma_start3A_26 = arith.constant 0 : i32
      %dma_start3A_27 = tpu.memref_slice %arg4[%add3A_9, %dma_start3A_26] : memref<8192x256xf32, #tpu.memory_space<hbm>> -> memref<128x256xf32, #tpu.memory_space<hbm>>
      %dma_start3A_28 = arith.constant 0 : i32
      %dma_start3A_29 = tpu.memref_slice %arg4[%add3A_9, %dma_start3A_28] : memref<8192x256xf32, #tpu.memory_space<hbm>> -> memref<128x256xf32, #tpu.memory_space<hbm>>
      tpu.enqueue_dma source(%dma_start3A_29 : memref<128x256xf32, #tpu.memory_space<hbm>>) target(%arg9 : memref<128x256xf32, #tpu.memory_space<vmem>>) target_semaphore(%run_scoped3A : memref<!tpu.dma_semaphore, #tpu.memory_space<semaphore_mem>>)
      %dma_wait3A_30 = arith.constant 0 : i32
      %dma_wait3A_31 = tpu.memref_slice %arg4[%add3A_9, %dma_wait3A_30] : memref<8192x256xf32, #tpu.memory_space<hbm>> -> memref<128x256xf32, #tpu.memory_space<hbm>>
      %dma_wait3A_32 = arith.constant 0 : i32
      %dma_wait3A_33 = tpu.memref_slice %arg4[%add3A_9, %dma_wait3A_32] : memref<8192x256xf32, #tpu.memory_space<hbm>> -> memref<128x256xf32, #tpu.memory_space<hbm>>
      tpu.wait_dma2 semaphore(%run_scoped3A : memref<!tpu.dma_semaphore, #tpu.memory_space<semaphore_mem>>) src(%dma_wait3A_33 : memref<128x256xf32, #tpu.memory_space<hbm>>) dst(%arg9 : memref<128x256xf32, #tpu.memory_space<vmem>>)
      tpu.yield
    }) : () -> ()
    %scan3A = arith.constant 0 : i32
    %scan3A_10 = arith.constant 128 : i32
    %scan3A_11 = arith.addi %scan3A, %scan3A_10 : i32
    %scan3A_12 = arith.constant 1 : i32
    %scan3A_13 = scf.for %scan3A_26 = %scan3A to %scan3A_11 step %scan3A_12 iter_args(%scan3A_27 = %broadcast_in_dim3A_7) -> (vector<16xf32>)  : i32 {
      %add3A_28 = arith.constant 0 : i32
      %add3A_29 = arith.addi %add3A_28, %scan3A_26 : i32
      %get3A = arith.index_cast %add3A_29 : i32 to index
      %get3A_30 = arith.constant 0 : index
      %get3A_31 = tpu.vector_load %arg8[%get3A, %get3A_30] {strides = array<i32>} : memref<256x256xf32, #tpu.memory_space<vmem>>, vector<1x16xf32>,
      %get3A_32 = vector.shape_cast %get3A_31 : vector<1x16xf32> to vector<16xf32>
      %get3A_33 = arith.index_cast %scan3A_26 : i32 to index
      %get3A_34 = arith.constant 0 : index
      %get3A_35 = tpu.vector_load %arg9[%get3A_33, %get3A_34] {strides = array<i32>} : memref<128x256xf32, #tpu.memory_space<vmem>>, vector<1x16xf32>,
      %get3A_36 = vector.shape_cast %get3A_35 : vector<1x16xf32> to vector<16xf32>
      %sub3A = arith.subf %get3A_32, %get3A_36 : vector<16xf32>
      %add3A_37 = arith.addf %get3A_36, %sub3A : vector<16xf32>
      %swap3A_38 = arith.index_cast %add3A_29 : i32 to index
      %swap3A_39 = arith.constant 0 : index
      %swap3A_40 = tpu.vector_load %arg8[%swap3A_38, %swap3A_39] {strides = array<i32>} : memref<256x256xf32, #tpu.memory_space<vmem>>, vector<1x16xf32>,
      %swap3A_41 = vector.shape_cast %swap3A_40 : vector<1x16xf32> to vector<16xf32>
      %swap3A_42 = vector.shape_cast %add3A_37 : vector<16xf32> to vector<1x16xf32>
      tpu.vector_store %arg8[%swap3A_38, %swap3A_39], %swap3A_42 {strides = array<i32>} : memref<256x256xf32, #tpu.memory_space<vmem>>, vector<1x16xf32>,
      %mul3A_43 = arith.mulf %sub3A, %sub3A : vector<16xf32>
      %add3A_44 = arith.addf %scan3A_27, %mul3A_43 : vector<16xf32>
      %get3A_45 = arith.index_cast %add3A_29 : i32 to index
      %get3A_46 = arith.constant 16 : index
      %get3A_47 = tpu.vector_load %arg8[%get3A_45, %get3A_46] {strides = array<i32>} : memref<256x256xf32, #tpu.memory_space<vmem>>, vector<1x16xf32>,
      %get3A_48 = vector.shape_cast %get3A_47 : vector<1x16xf32> to vector<16xf32>
      %get3A_49 = arith.index_cast %scan3A_26 : i32 to index
      %get3A_50 = arith.constant 16 : index
      %get3A_51 = tpu.vector_load %arg9[%get3A_49, %get3A_50] {strides = array<i32>} : memref<128x256xf32, #tpu.memory_space<vmem>>, vector<1x16xf32>,
      %get3A_52 = vector.shape_cast %get3A_51 : vector<1x16xf32> to vector<16xf32>
      %sub3A_53 = arith.subf %get3A_48, %get3A_52 : vector<16xf32>
      %add3A_54 = arith.addf %get3A_52, %sub3A_53 : vector<16xf32>
      %swap3A_55 = arith.index_cast %add3A_29 : i32 to index
      %swap3A_56 = arith.constant 16 : index
      %swap3A_57 = tpu.vector_load %arg8[%swap3A_55, %swap3A_56] {strides = array<i32>} : memref<256x256xf32, #tpu.memory_space<vmem>>, vector<1x16xf32>,
      %swap3A_58 = vector.shape_cast %swap3A_57 : vector<1x16xf32> to vector<16xf32>
      %swap3A_59 = vector.shape_cast %add3A_54 : vector<16xf32> to vector<1x16xf32>
      tpu.vector_store %arg8[%swap3A_55, %swap3A_56], %swap3A_59 {strides = array<i32>} : memref<256x256xf32, #tpu.memory_space<vmem>>, vector<1x16xf32>,
      %mul3A_60 = arith.mulf %sub3A_53, %sub3A_53 : vector<16xf32>
      %add3A_61 = arith.addf %add3A_44, %mul3A_60 : vector<16xf32>
      %get3A_62 = arith.index_cast %add3A_29 : i32 to index
      %get3A_63 = arith.constant 32 : index
      %get3A_64 = tpu.vector_load %arg8[%get3A_62, %get3A_63] {strides = array<i32>} : memref<256x256xf32, #tpu.memory_space<vmem>>, vector<1x16xf32>,
      %get3A_65 = vector.shape_cast %get3A_64 : vector<1x16xf32> to vector<16xf32>
      %get3A_66 = arith.index_cast %scan3A_26 : i32 to index
      %get3A_67 = arith.constant 32 : index
      %get3A_68 = tpu.vector_load %arg9[%get3A_66, %get3A_67] {strides = array<i32>} : memref<128x256xf32, #tpu.memory_space<vmem>>, vector<1x16xf32>,
      %get3A_69 = vector.shape_cast %get3A_68 : vector<1x16xf32> to vector<16xf32>
      %sub3A_70 = arith.subf %get3A_65, %get3A_69 : vector<16xf32>
      %add3A_71 = arith.addf %get3A_69, %sub3A_70 : vector<16xf32>
      %swap3A_72 = arith.index_cast %add3A_29 : i32 to index
      %swap3A_73 = arith.constant 32 : index
      %swap3A_74 = tpu.vector_load %arg8[%swap3A_72, %swap3A_73] {strides = array<i32>} : memref<256x256xf32, #tpu.memory_space<vmem>>, vector<1x16xf32>,
      %swap3A_75 = vector.shape_cast %swap3A_74 : vector<1x16xf32> to vector<16xf32>
      %swap3A_76 = vector.shape_cast %add3A_71 : vector<16xf32> to vector<1x16xf32>
      tpu.vector_store %arg8[%swap3A_72, %swap3A_73], %swap3A_76 {strides = array<i32>} : memref<256x256xf32, #tpu.memory_space<vmem>>, vector<1x16xf32>,
      %mul3A_77 = arith.mulf %sub3A_70, %sub3A_70 : vector<16xf32>
      %add3A_78 = arith.addf %add3A_61, %mul3A_77 : vector<16xf32>
      %get3A_79 = arith.index_cast %add3A_29 : i32 to index
      %get3A_80 = arith.constant 48 : index
      %get3A_81 = tpu.vector_load %arg8[%get3A_79, %get3A_80] {strides = array<i32>} : memref<256x256xf32, #tpu.memory_space<vmem>>, vector<1x16xf32>,
      %get3A_82 = vector.shape_cast %get3A_81 : vector<1x16xf32> to vector<16xf32>
      %get3A_83 = arith.index_cast %scan3A_26 : i32 to index
      %get3A_84 = arith.constant 48 : index
      %get3A_85 = tpu.vector_load %arg9[%get3A_83, %get3A_84] {strides = array<i32>} : memref<128x256xf32, #tpu.memory_space<vmem>>, vector<1x16xf32>,
      %get3A_86 = vector.shape_cast %get3A_85 : vector<1x16xf32> to vector<16xf32>
      %sub3A_87 = arith.subf %get3A_82, %get3A_86 : vector<16xf32>
      %add3A_88 = arith.addf %get3A_86, %sub3A_87 : vector<16xf32>
      %swap3A_89 = arith.index_cast %add3A_29 : i32 to index
      %swap3A_90 = arith.constant 48 : index
      %swap3A_91 = tpu.vector_load %arg8[%swap3A_89, %swap3A_90] {strides = array<i32>} : memref<256x256xf32, #tpu.memory_space<vmem>>, vector<1x16xf32>,
      %swap3A_92 = vector.shape_cast %swap3A_91 : vector<1x16xf32> to vector<16xf32>
      %swap3A_93 = vector.shape_cast %add3A_88 : vector<16xf32> to vector<1x16xf32>
      tpu.vector_store %arg8[%swap3A_89, %swap3A_90], %swap3A_93 {strides = array<i32>} : memref<256x256xf32, #tpu.memory_space<vmem>>, vector<1x16xf32>,
      %mul3A_94 = arith.mulf %sub3A_87, %sub3A_87 : vector<16xf32>
      %add3A_95 = arith.addf %add3A_78, %mul3A_94 : vector<16xf32>
      %get3A_96 = arith.index_cast %add3A_29 : i32 to index
      %get3A_97 = arith.constant 64 : index
      %get3A_98 = tpu.vector_load %arg8[%get3A_96, %get3A_97] {strides = array<i32>} : memref<256x256xf32, #tpu.memory_space<vmem>>, vector<1x16xf32>,
      %get3A_99 = vector.shape_cast %get3A_98 : vector<1x16xf32> to vector<16xf32>
      %get3A_100 = arith.index_cast %scan3A_26 : i32 to index
      %get3A_101 = arith.constant 64 : index
      %get3A_102 = tpu.vector_load %arg9[%get3A_100, %get3A_101] {strides = array<i32>} : memref<128x256xf32, #tpu.memory_space<vmem>>, vector<1x16xf32>,
      %get3A_103 = vector.shape_cast %get3A_102 : vector<1x16xf32> to vector<16xf32>
      %sub3A_104 = arith.subf %get3A_99, %get3A_103 : vector<16xf32>
      %add3A_105 = arith.addf %get3A_103, %sub3A_104 : vector<16xf32>
      %swap3A_106 = arith.index_cast %add3A_29 : i32 to index
      %swap3A_107 = arith.constant 64 : index
      %swap3A_108 = tpu.vector_load %arg8[%swap3A_106, %swap3A_107] {strides = array<i32>} : memref<256x256xf32, #tpu.memory_space<vmem>>, vector<1x16xf32>,
      %swap3A_109 = vector.shape_cast %swap3A_108 : vector<1x16xf32> to vector<16xf32>
      %swap3A_110 = vector.shape_cast %add3A_105 : vector<16xf32> to vector<1x16xf32>
      tpu.vector_store %arg8[%swap3A_106, %swap3A_107], %swap3A_110 {strides = array<i32>} : memref<256x256xf32, #tpu.memory_space<vmem>>, vector<1x16xf32>,
      %mul3A_111 = arith.mulf %sub3A_104, %sub3A_104 : vector<16xf32>
      %add3A_112 = arith.addf %add3A_95, %mul3A_111 : vector<16xf32>
      %get3A_113 = arith.index_cast %add3A_29 : i32 to index
      %get3A_114 = arith.constant 80 : index
      %get3A_115 = tpu.vector_load %arg8[%get3A_113, %get3A_114] {strides = array<i32>} : memref<256x256xf32, #tpu.memory_space<vmem>>, vector<1x16xf32>,
      %get3A_116 = vector.shape_cast %get3A_115 : vector<1x16xf32> to vector<16xf32>
      %get3A_117 = arith.index_cast %scan3A_26 : i32 to index
      %get3A_118 = arith.constant 80 : index
      %get3A_119 = tpu.vector_load %arg9[%get3A_117, %get3A_118] {strides = array<i32>} : memref<128x256xf32, #tpu.memory_space<vmem>>, vector<1x16xf32>,
      %get3A_120 = vector.shape_cast %get3A_119 : vector<1x16xf32> to vector<16xf32>
      %sub3A_121 = arith.subf %get3A_116, %get3A_120 : vector<16xf32>
      %add3A_122 = arith.addf %get3A_120, %sub3A_121 : vector<16xf32>
      %swap3A_123 = arith.index_cast %add3A_29 : i32 to index
      %swap3A_124 = arith.constant 80 : index
      %swap3A_125 = tpu.vector_load %arg8[%swap3A_123, %swap3A_124] {strides = array<i32>} : memref<256x256xf32, #tpu.memory_space<vmem>>, vector<1x16xf32>,
      %swap3A_126 = vector.shape_cast %swap3A_125 : vector<1x16xf32> to vector<16xf32>
      %swap3A_127 = vector.shape_cast %add3A_122 : vector<16xf32> to vector<1x16xf32>
      tpu.vector_store %arg8[%swap3A_123, %swap3A_124], %swap3A_127 {strides = array<i32>} : memref<256x256xf32, #tpu.memory_space<vmem>>, vector<1x16xf32>,
      %mul3A_128 = arith.mulf %sub3A_121, %sub3A_121 : vector<16xf32>
      %add3A_129 = arith.addf %add3A_112, %mul3A_128 : vector<16xf32>
      %get3A_130 = arith.index_cast %add3A_29 : i32 to index
      %get3A_131 = arith.constant 96 : index
      %get3A_132 = tpu.vector_load %arg8[%get3A_130, %get3A_131] {strides = array<i32>} : memref<256x256xf32, #tpu.memory_space<vmem>>, vector<1x16xf32>,
      %get3A_133 = vector.shape_cast %get3A_132 : vector<1x16xf32> to vector<16xf32>
      %get3A_134 = arith.index_cast %scan3A_26 : i32 to index
      %get3A_135 = arith.constant 96 : index
      %get3A_136 = tpu.vector_load %arg9[%get3A_134, %get3A_135] {strides = array<i32>} : memref<128x256xf32, #tpu.memory_space<vmem>>, vector<1x16xf32>,
      %get3A_137 = vector.shape_cast %get3A_136 : vector<1x16xf32> to vector<16xf32>
      %sub3A_138 = arith.subf %get3A_133, %get3A_137 : vector<16xf32>
      %add3A_139 = arith.addf %get3A_137, %sub3A_138 : vector<16xf32>
      %swap3A_140 = arith.index_cast %add3A_29 : i32 to index
      %swap3A_141 = arith.constant 96 : index
      %swap3A_142 = tpu.vector_load %arg8[%swap3A_140, %swap3A_141] {strides = array<i32>} : memref<256x256xf32, #tpu.memory_space<vmem>>, vector<1x16xf32>,
      %swap3A_143 = vector.shape_cast %swap3A_142 : vector<1x16xf32> to vector<16xf32>
      %swap3A_144 = vector.shape_cast %add3A_139 : vector<16xf32> to vector<1x16xf32>
      tpu.vector_store %arg8[%swap3A_140, %swap3A_141], %swap3A_144 {strides = array<i32>} : memref<256x256xf32, #tpu.memory_space<vmem>>, vector<1x16xf32>,
      %mul3A_145 = arith.mulf %sub3A_138, %sub3A_138 : vector<16xf32>
      %add3A_146 = arith.addf %add3A_129, %mul3A_145 : vector<16xf32>
      %get3A_147 = arith.index_cast %add3A_29 : i32 to index
      %get3A_148 = arith.constant 112 : index
      %get3A_149 = tpu.vector_load %arg8[%get3A_147, %get3A_148] {strides = array<i32>} : memref<256x256xf32, #tpu.memory_space<vmem>>, vector<1x16xf32>,
      %get3A_150 = vector.shape_cast %get3A_149 : vector<1x16xf32> to vector<16xf32>
      %get3A_151 = arith.index_cast %scan3A_26 : i32 to index
      %get3A_152 = arith.constant 112 : index
      %get3A_153 = tpu.vector_load %arg9[%get3A_151, %get3A_152] {strides = array<i32>} : memref<128x256xf32, #tpu.memory_space<vmem>>, vector<1x16xf32>,
      %get3A_154 = vector.shape_cast %get3A_153 : vector<1x16xf32> to vector<16xf32>
      %sub3A_155 = arith.subf %get3A_150, %get3A_154 : vector<16xf32>
      %add3A_156 = arith.addf %get3A_154, %sub3A_155 : vector<16xf32>
      %swap3A_157 = arith.index_cast %add3A_29 : i32 to index
      %swap3A_158 = arith.constant 112 : index
      %swap3A_159 = tpu.vector_load %arg8[%swap3A_157, %swap3A_158] {strides = array<i32>} : memref<256x256xf32, #tpu.memory_space<vmem>>, vector<1x16xf32>,
      %swap3A_160 = vector.shape_cast %swap3A_159 : vector<1x16xf32> to vector<16xf32>
      %swap3A_161 = vector.shape_cast %add3A_156 : vector<16xf32> to vector<1x16xf32>
      tpu.vector_store %arg8[%swap3A_157, %swap3A_158], %swap3A_161 {strides = array<i32>} : memref<256x256xf32, #tpu.memory_space<vmem>>, vector<1x16xf32>,
      %mul3A_162 = arith.mulf %sub3A_155, %sub3A_155 : vector<16xf32>
      %add3A_163 = arith.addf %add3A_146, %mul3A_162 : vector<16xf32>
      %get3A_164 = arith.index_cast %add3A_29 : i32 to index
      %get3A_165 = arith.constant 128 : index
      %get3A_166 = tpu.vector_load %arg8[%get3A_164, %get3A_165] {strides = array<i32>} : memref<256x256xf32, #tpu.memory_space<vmem>>, vector<1x16xf32>,
      %get3A_167 = vector.shape_cast %get3A_166 : vector<1x16xf32> to vector<16xf32>
      %get3A_168 = arith.index_cast %scan3A_26 : i32 to index
      %get3A_169 = arith.constant 128 : index
      %get3A_170 = tpu.vector_load %arg9[%get3A_168, %get3A_169] {strides = array<i32>} : memref<128x256xf32, #tpu.memory_space<vmem>>, vector<1x16xf32>,
      %get3A_171 = vector.shape_cast %get3A_170 : vector<1x16xf32> to vector<16xf32>
      %sub3A_172 = arith.subf %get3A_167, %get3A_171 : vector<16xf32>
      %add3A_173 = arith.addf %get3A_171, %sub3A_172 : vector<16xf32>
      %swap3A_174 = arith.index_cast %add3A_29 : i32 to index
      %swap3A_175 = arith.constant 128 : index
      %swap3A_176 = tpu.vector_load %arg8[%swap3A_174, %swap3A_175] {strides = array<i32>} : memref<256x256xf32, #tpu.memory_space<vmem>>, vector<1x16xf32>,
      %swap3A_177 = vector.shape_cast %swap3A_176 : vector<1x16xf32> to vector<16xf32>
      %swap3A_178 = vector.shape_cast %add3A_173 : vector<16xf32> to vector<1x16xf32>
      tpu.vector_store %arg8[%swap3A_174, %swap3A_175], %swap3A_178 {strides = array<i32>} : memref<256x256xf32, #tpu.memory_space<vmem>>, vector<1x16xf32>,
      %mul3A_179 = arith.mulf %sub3A_172, %sub3A_172 : vector<16xf32>
      %add3A_180 = arith.addf %add3A_163, %mul3A_179 : vector<16xf32>
      %get3A_181 = arith.index_cast %add3A_29 : i32 to index
      %get3A_182 = arith.constant 144 : index
      %get3A_183 = tpu.vector_load %arg8[%get3A_181, %get3A_182] {strides = array<i32>} : memref<256x256xf32, #tpu.memory_space<vmem>>, vector<1x16xf32>,
      %get3A_184 = vector.shape_cast %get3A_183 : vector<1x16xf32> to vector<16xf32>
      %get3A_185 = arith.index_cast %scan3A_26 : i32 to index
      %get3A_186 = arith.constant 144 : index
      %get3A_187 = tpu.vector_load %arg9[%get3A_185, %get3A_186] {strides = array<i32>} : memref<128x256xf32, #tpu.memory_space<vmem>>, vector<1x16xf32>,
      %get3A_188 = vector.shape_cast %get3A_187 : vector<1x16xf32> to vector<16xf32>
      %sub3A_189 = arith.subf %get3A_184, %get3A_188 : vector<16xf32>
      %add3A_190 = arith.addf %get3A_188, %sub3A_189 : vector<16xf32>
      %swap3A_191 = arith.index_cast %add3A_29 : i32 to index
      %swap3A_192 = arith.constant 144 : index
      %swap3A_193 = tpu.vector_load %arg8[%swap3A_191, %swap3A_192] {strides = array<i32>} : memref<256x256xf32, #tpu.memory_space<vmem>>, vector<1x16xf32>,
      %swap3A_194 = vector.shape_cast %swap3A_193 : vector<1x16xf32> to vector<16xf32>
      %swap3A_195 = vector.shape_cast %add3A_190 : vector<16xf32> to vector<1x16xf32>
      tpu.vector_store %arg8[%swap3A_191, %swap3A_192], %swap3A_195 {strides = array<i32>} : memref<256x256xf32, #tpu.memory_space<vmem>>, vector<1x16xf32>,
      %mul3A_196 = arith.mulf %sub3A_189, %sub3A_189 : vector<16xf32>
      %add3A_197 = arith.addf %add3A_180, %mul3A_196 : vector<16xf32>
      %get3A_198 = arith.index_cast %add3A_29 : i32 to index
      %get3A_199 = arith.constant 160 : index
      %get3A_200 = tpu.vector_load %arg8[%get3A_198, %get3A_199] {strides = array<i32>} : memref<256x256xf32, #tpu.memory_space<vmem>>, vector<1x16xf32>,
      %get3A_201 = vector.shape_cast %get3A_200 : vector<1x16xf32> to vector<16xf32>
      %get3A_202 = arith.index_cast %scan3A_26 : i32 to index
      %get3A_203 = arith.constant 160 : index
      %get3A_204 = tpu.vector_load %arg9[%get3A_202, %get3A_203] {strides = array<i32>} : memref<128x256xf32, #tpu.memory_space<vmem>>, vector<1x16xf32>,
      %get3A_205 = vector.shape_cast %get3A_204 : vector<1x16xf32> to vector<16xf32>
      %sub3A_206 = arith.subf %get3A_201, %get3A_205 : vector<16xf32>
      %add3A_207 = arith.addf %get3A_205, %sub3A_206 : vector<16xf32>
      %swap3A_208 = arith.index_cast %add3A_29 : i32 to index
      %swap3A_209 = arith.constant 160 : index
      %swap3A_210 = tpu.vector_load %arg8[%swap3A_208, %swap3A_209] {strides = array<i32>} : memref<256x256xf32, #tpu.memory_space<vmem>>, vector<1x16xf32>,
      %swap3A_211 = vector.shape_cast %swap3A_210 : vector<1x16xf32> to vector<16xf32>
      %swap3A_212 = vector.shape_cast %add3A_207 : vector<16xf32> to vector<1x16xf32>
      tpu.vector_store %arg8[%swap3A_208, %swap3A_209], %swap3A_212 {strides = array<i32>} : memref<256x256xf32, #tpu.memory_space<vmem>>, vector<1x16xf32>,
      %mul3A_213 = arith.mulf %sub3A_206, %sub3A_206 : vector<16xf32>
      %add3A_214 = arith.addf %add3A_197, %mul3A_213 : vector<16xf32>
      %get3A_215 = arith.index_cast %add3A_29 : i32 to index
      %get3A_216 = arith.constant 176 : index
      %get3A_217 = tpu.vector_load %arg8[%get3A_215, %get3A_216] {strides = array<i32>} : memref<256x256xf32, #tpu.memory_space<vmem>>, vector<1x16xf32>,
      %get3A_218 = vector.shape_cast %get3A_217 : vector<1x16xf32> to vector<16xf32>
      %get3A_219 = arith.index_cast %scan3A_26 : i32 to index
      %get3A_220 = arith.constant 176 : index
      %get3A_221 = tpu.vector_load %arg9[%get3A_219, %get3A_220] {strides = array<i32>} : memref<128x256xf32, #tpu.memory_space<vmem>>, vector<1x16xf32>,
      %get3A_222 = vector.shape_cast %get3A_221 : vector<1x16xf32> to vector<16xf32>
      %sub3A_223 = arith.subf %get3A_218, %get3A_222 : vector<16xf32>
      %add3A_224 = arith.addf %get3A_222, %sub3A_223 : vector<16xf32>
      %swap3A_225 = arith.index_cast %add3A_29 : i32 to index
      %swap3A_226 = arith.constant 176 : index
      %swap3A_227 = tpu.vector_load %arg8[%swap3A_225, %swap3A_226] {strides = array<i32>} : memref<256x256xf32, #tpu.memory_space<vmem>>, vector<1x16xf32>,
      %swap3A_228 = vector.shape_cast %swap3A_227 : vector<1x16xf32> to vector<16xf32>
      %swap3A_229 = vector.shape_cast %add3A_224 : vector<16xf32> to vector<1x16xf32>
      tpu.vector_store %arg8[%swap3A_225, %swap3A_226], %swap3A_229 {strides = array<i32>} : memref<256x256xf32, #tpu.memory_space<vmem>>, vector<1x16xf32>,
      %mul3A_230 = arith.mulf %sub3A_223, %sub3A_223 : vector<16xf32>
      %add3A_231 = arith.addf %add3A_214, %mul3A_230 : vector<16xf32>
      %get3A_232 = arith.index_cast %add3A_29 : i32 to index
      %get3A_233 = arith.constant 192 : index
      %get3A_234 = tpu.vector_load %arg8[%get3A_232, %get3A_233] {strides = array<i32>} : memref<256x256xf32, #tpu.memory_space<vmem>>, vector<1x16xf32>,
      %get3A_235 = vector.shape_cast %get3A_234 : vector<1x16xf32> to vector<16xf32>
      %get3A_236 = arith.index_cast %scan3A_26 : i32 to index
      %get3A_237 = arith.constant 192 : index
      %get3A_238 = tpu.vector_load %arg9[%get3A_236, %get3A_237] {strides = array<i32>} : memref<128x256xf32, #tpu.memory_space<vmem>>, vector<1x16xf32>,
      %get3A_239 = vector.shape_cast %get3A_238 : vector<1x16xf32> to vector<16xf32>
      %sub3A_240 = arith.subf %get3A_235, %get3A_239 : vector<16xf32>
      %add3A_241 = arith.addf %get3A_239, %sub3A_240 : vector<16xf32>
      %swap3A_242 = arith.index_cast %add3A_29 : i32 to index
      %swap3A_243 = arith.constant 192 : index
      %swap3A_244 = tpu.vector_load %arg8[%swap3A_242, %swap3A_243] {strides = array<i32>} : memref<256x256xf32, #tpu.memory_space<vmem>>, vector<1x16xf32>,
      %swap3A_245 = vector.shape_cast %swap3A_244 : vector<1x16xf32> to vector<16xf32>
      %swap3A_246 = vector.shape_cast %add3A_241 : vector<16xf32> to vector<1x16xf32>
      tpu.vector_store %arg8[%swap3A_242, %swap3A_243], %swap3A_246 {strides = array<i32>} : memref<256x256xf32, #tpu.memory_space<vmem>>, vector<1x16xf32>,
      %mul3A_247 = arith.mulf %sub3A_240, %sub3A_240 : vector<16xf32>
      %add3A_248 = arith.addf %add3A_231, %mul3A_247 : vector<16xf32>
      %get3A_249 = arith.index_cast %add3A_29 : i32 to index
      %get3A_250 = arith.constant 208 : index
      %get3A_251 = tpu.vector_load %arg8[%get3A_249, %get3A_250] {strides = array<i32>} : memref<256x256xf32, #tpu.memory_space<vmem>>, vector<1x16xf32>,
      %get3A_252 = vector.shape_cast %get3A_251 : vector<1x16xf32> to vector<16xf32>
      %get3A_253 = arith.index_cast %scan3A_26 : i32 to index
      %get3A_254 = arith.constant 208 : index
      %get3A_255 = tpu.vector_load %arg9[%get3A_253, %get3A_254] {strides = array<i32>} : memref<128x256xf32, #tpu.memory_space<vmem>>, vector<1x16xf32>,
      %get3A_256 = vector.shape_cast %get3A_255 : vector<1x16xf32> to vector<16xf32>
      %sub3A_257 = arith.subf %get3A_252, %get3A_256 : vector<16xf32>
      %add3A_258 = arith.addf %get3A_256, %sub3A_257 : vector<16xf32>
      %swap3A_259 = arith.index_cast %add3A_29 : i32 to index
      %swap3A_260 = arith.constant 208 : index
      %swap3A_261 = tpu.vector_load %arg8[%swap3A_259, %swap3A_260] {strides = array<i32>} : memref<256x256xf32, #tpu.memory_space<vmem>>, vector<1x16xf32>,
      %swap3A_262 = vector.shape_cast %swap3A_261 : vector<1x16xf32> to vector<16xf32>
      %swap3A_263 = vector.shape_cast %add3A_258 : vector<16xf32> to vector<1x16xf32>
      tpu.vector_store %arg8[%swap3A_259, %swap3A_260], %swap3A_263 {strides = array<i32>} : memref<256x256xf32, #tpu.memory_space<vmem>>, vector<1x16xf32>,
      %mul3A_264 = arith.mulf %sub3A_257, %sub3A_257 : vector<16xf32>
      %add3A_265 = arith.addf %add3A_248, %mul3A_264 : vector<16xf32>
      %get3A_266 = arith.index_cast %add3A_29 : i32 to index
      %get3A_267 = arith.constant 224 : index
      %get3A_268 = tpu.vector_load %arg8[%get3A_266, %get3A_267] {strides = array<i32>} : memref<256x256xf32, #tpu.memory_space<vmem>>, vector<1x16xf32>,
      %get3A_269 = vector.shape_cast %get3A_268 : vector<1x16xf32> to vector<16xf32>
      %get3A_270 = arith.index_cast %scan3A_26 : i32 to index
      %get3A_271 = arith.constant 224 : index
      %get3A_272 = tpu.vector_load %arg9[%get3A_270, %get3A_271] {strides = array<i32>} : memref<128x256xf32, #tpu.memory_space<vmem>>, vector<1x16xf32>,
      %get3A_273 = vector.shape_cast %get3A_272 : vector<1x16xf32> to vector<16xf32>
      %sub3A_274 = arith.subf %get3A_269, %get3A_273 : vector<16xf32>
      %add3A_275 = arith.addf %get3A_273, %sub3A_274 : vector<16xf32>
      %swap3A_276 = arith.index_cast %add3A_29 : i32 to index
      %swap3A_277 = arith.constant 224 : index
      %swap3A_278 = tpu.vector_load %arg8[%swap3A_276, %swap3A_277] {strides = array<i32>} : memref<256x256xf32, #tpu.memory_space<vmem>>, vector<1x16xf32>,
      %swap3A_279 = vector.shape_cast %swap3A_278 : vector<1x16xf32> to vector<16xf32>
      %swap3A_280 = vector.shape_cast %add3A_275 : vector<16xf32> to vector<1x16xf32>
      tpu.vector_store %arg8[%swap3A_276, %swap3A_277], %swap3A_280 {strides = array<i32>} : memref<256x256xf32, #tpu.memory_space<vmem>>, vector<1x16xf32>,
      %mul3A_281 = arith.mulf %sub3A_274, %sub3A_274 : vector<16xf32>
      %add3A_282 = arith.addf %add3A_265, %mul3A_281 : vector<16xf32>
      %get3A_283 = arith.index_cast %add3A_29 : i32 to index
      %get3A_284 = arith.constant 240 : index
      %get3A_285 = tpu.vector_load %arg8[%get3A_283, %get3A_284] {strides = array<i32>} : memref<256x256xf32, #tpu.memory_space<vmem>>, vector<1x16xf32>,
      %get3A_286 = vector.shape_cast %get3A_285 : vector<1x16xf32> to vector<16xf32>
      %get3A_287 = arith.index_cast %scan3A_26 : i32 to index
      %get3A_288 = arith.constant 240 : index
      %get3A_289 = tpu.vector_load %arg9[%get3A_287, %get3A_288] {strides = array<i32>} : memref<128x256xf32, #tpu.memory_space<vmem>>, vector<1x16xf32>,
      %get3A_290 = vector.shape_cast %get3A_289 : vector<1x16xf32> to vector<16xf32>
      %sub3A_291 = arith.subf %get3A_286, %get3A_290 : vector<16xf32>
      %add3A_292 = arith.addf %get3A_290, %sub3A_291 : vector<16xf32>
      %swap3A_293 = arith.index_cast %add3A_29 : i32 to index
      %swap3A_294 = arith.constant 240 : index
      %swap3A_295 = tpu.vector_load %arg8[%swap3A_293, %swap3A_294] {strides = array<i32>} : memref<256x256xf32, #tpu.memory_space<vmem>>, vector<1x16xf32>,
      %swap3A_296 = vector.shape_cast %swap3A_295 : vector<1x16xf32> to vector<16xf32>
      %swap3A_297 = vector.shape_cast %add3A_292 : vector<16xf32> to vector<1x16xf32>
      tpu.vector_store %arg8[%swap3A_293, %swap3A_294], %swap3A_297 {strides = array<i32>} : memref<256x256xf32, #tpu.memory_space<vmem>>, vector<1x16xf32>,
      %mul3A_298 = arith.mulf %sub3A_291, %sub3A_291 : vector<16xf32>
      %add3A_299 = arith.addf %add3A_282, %mul3A_298 : vector<16xf32>
      scf.yield %add3A_299 : vector<16xf32>
    }
    %scan3A_14 = arith.constant 128 : i32
    %add3A_15 = arith.constant 128 : i32
    %add3A_16 = arith.addi %mul3A_2, %add3A_15 : i32
    "tpu.region"() ({
      %run_scoped3A = tpu.sem_alloc : memref<!tpu.dma_semaphore, #tpu.memory_space<semaphore_mem>>
      %dma_start3A_26 = arith.constant 0 : i32
      %dma_start3A_27 = tpu.memref_slice %arg4[%add3A_16, %dma_start3A_26] : memref<8192x256xf32, #tpu.memory_space<hbm>> -> memref<128x256xf32, #tpu.memory_space<hbm>>
      %dma_start3A_28 = arith.constant 0 : i32
      %dma_start3A_29 = tpu.memref_slice %arg4[%add3A_16, %dma_start3A_28] : memref<8192x256xf32, #tpu.memory_space<hbm>> -> memref<128x256xf32, #tpu.memory_space<hbm>>
      tpu.enqueue_dma source(%dma_start3A_29 : memref<128x256xf32, #tpu.memory_space<hbm>>) target(%arg9 : memref<128x256xf32, #tpu.memory_space<vmem>>) target_semaphore(%run_scoped3A : memref<!tpu.dma_semaphore, #tpu.memory_space<semaphore_mem>>)
      %dma_wait3A_30 = arith.constant 0 : i32
      %dma_wait3A_31 = tpu.memref_slice %arg4[%add3A_16, %dma_wait3A_30] : memref<8192x256xf32, #tpu.memory_space<hbm>> -> memref<128x256xf32, #tpu.memory_space<hbm>>
      %dma_wait3A_32 = arith.constant 0 : i32
      %dma_wait3A_33 = tpu.memref_slice %arg4[%add3A_16, %dma_wait3A_32] : memref<8192x256xf32, #tpu.memory_space<hbm>> -> memref<128x256xf32, #tpu.memory_space<hbm>>
      tpu.wait_dma2 semaphore(%run_scoped3A : memref<!tpu.dma_semaphore, #tpu.memory_space<semaphore_mem>>) src(%dma_wait3A_33 : memref<128x256xf32, #tpu.memory_space<hbm>>) dst(%arg9 : memref<128x256xf32, #tpu.memory_space<vmem>>)
      tpu.yield
    }) : () -> ()
    %scan3A_17 = arith.constant 0 : i32
    %scan3A_18 = arith.constant 128 : i32
    %scan3A_19 = arith.addi %scan3A_17, %scan3A_18 : i32
    %scan3A_20 = arith.constant 1 : i32
    %scan3A_21 = scf.for %scan3A_26 = %scan3A_17 to %scan3A_19 step %scan3A_20 iter_args(%scan3A_27 = %scan3A_13) -> (vector<16xf32>)  : i32 {
      %add3A_28 = arith.constant 128 : i32
      %add3A_29 = arith.addi %add3A_28, %scan3A_26 : i32
      %get3A = arith.index_cast %add3A_29 : i32 to index
      %get3A_30 = arith.constant 0 : index
      %get3A_31 = tpu.vector_load %arg8[%get3A, %get3A_30] {strides = array<i32>} : memref<256x256xf32, #tpu.memory_space<vmem>>, vector<1x16xf32>,
      %get3A_32 = vector.shape_cast %get3A_31 : vector<1x16xf32> to vector<16xf32>
      %get3A_33 = arith.index_cast %scan3A_26 : i32 to index
      %get3A_34 = arith.constant 0 : index
      %get3A_35 = tpu.vector_load %arg9[%get3A_33, %get3A_34] {strides = array<i32>} : memref<128x256xf32, #tpu.memory_space<vmem>>, vector<1x16xf32>,
      %get3A_36 = vector.shape_cast %get3A_35 : vector<1x16xf32> to vector<16xf32>
      %sub3A = arith.subf %get3A_32, %get3A_36 : vector<16xf32>
      %add3A_37 = arith.addf %get3A_36, %sub3A : vector<16xf32>
      %swap3A_38 = arith.index_cast %add3A_29 : i32 to index
      %swap3A_39 = arith.constant 0 : index
      %swap3A_40 = tpu.vector_load %arg8[%swap3A_38, %swap3A_39] {strides = array<i32>} : memref<256x256xf32, #tpu.memory_space<vmem>>, vector<1x16xf32>,
      %swap3A_41 = vector.shape_cast %swap3A_40 : vector<1x16xf32> to vector<16xf32>
      %swap3A_42 = vector.shape_cast %add3A_37 : vector<16xf32> to vector<1x16xf32>
      tpu.vector_store %arg8[%swap3A_38, %swap3A_39], %swap3A_42 {strides = array<i32>} : memref<256x256xf32, #tpu.memory_space<vmem>>, vector<1x16xf32>,
      %mul3A_43 = arith.mulf %sub3A, %sub3A : vector<16xf32>
      %add3A_44 = arith.addf %scan3A_27, %mul3A_43 : vector<16xf32>
      %get3A_45 = arith.index_cast %add3A_29 : i32 to index
      %get3A_46 = arith.constant 16 : index
      %get3A_47 = tpu.vector_load %arg8[%get3A_45, %get3A_46] {strides = array<i32>} : memref<256x256xf32, #tpu.memory_space<vmem>>, vector<1x16xf32>,
      %get3A_48 = vector.shape_cast %get3A_47 : vector<1x16xf32> to vector<16xf32>
      %get3A_49 = arith.index_cast %scan3A_26 : i32 to index
      %get3A_50 = arith.constant 16 : index
      %get3A_51 = tpu.vector_load %arg9[%get3A_49, %get3A_50] {strides = array<i32>} : memref<128x256xf32, #tpu.memory_space<vmem>>, vector<1x16xf32>,
      %get3A_52 = vector.shape_cast %get3A_51 : vector<1x16xf32> to vector<16xf32>
      %sub3A_53 = arith.subf %get3A_48, %get3A_52 : vector<16xf32>
      %add3A_54 = arith.addf %get3A_52, %sub3A_53 : vector<16xf32>
      %swap3A_55 = arith.index_cast %add3A_29 : i32 to index
      %swap3A_56 = arith.constant 16 : index
      %swap3A_57 = tpu.vector_load %arg8[%swap3A_55, %swap3A_56] {strides = array<i32>} : memref<256x256xf32, #tpu.memory_space<vmem>>, vector<1x16xf32>,
      %swap3A_58 = vector.shape_cast %swap3A_57 : vector<1x16xf32> to vector<16xf32>
      %swap3A_59 = vector.shape_cast %add3A_54 : vector<16xf32> to vector<1x16xf32>
      tpu.vector_store %arg8[%swap3A_55, %swap3A_56], %swap3A_59 {strides = array<i32>} : memref<256x256xf32, #tpu.memory_space<vmem>>, vector<1x16xf32>,
      %mul3A_60 = arith.mulf %sub3A_53, %sub3A_53 : vector<16xf32>
      %add3A_61 = arith.addf %add3A_44, %mul3A_60 : vector<16xf32>
      %get3A_62 = arith.index_cast %add3A_29 : i32 to index
      %get3A_63 = arith.constant 32 : index
      %get3A_64 = tpu.vector_load %arg8[%get3A_62, %get3A_63] {strides = array<i32>} : memref<256x256xf32, #tpu.memory_space<vmem>>, vector<1x16xf32>,
      %get3A_65 = vector.shape_cast %get3A_64 : vector<1x16xf32> to vector<16xf32>
      %get3A_66 = arith.index_cast %scan3A_26 : i32 to index
      %get3A_67 = arith.constant 32 : index
      %get3A_68 = tpu.vector_load %arg9[%get3A_66, %get3A_67] {strides = array<i32>} : memref<128x256xf32, #tpu.memory_space<vmem>>, vector<1x16xf32>,
      %get3A_69 = vector.shape_cast %get3A_68 : vector<1x16xf32> to vector<16xf32>
      %sub3A_70 = arith.subf %get3A_65, %get3A_69 : vector<16xf32>
      %add3A_71 = arith.addf %get3A_69, %sub3A_70 : vector<16xf32>
      %swap3A_72 = arith.index_cast %add3A_29 : i32 to index
      %swap3A_73 = arith.constant 32 : index
      %swap3A_74 = tpu.vector_load %arg8[%swap3A_72, %swap3A_73] {strides = array<i32>} : memref<256x256xf32, #tpu.memory_space<vmem>>, vector<1x16xf32>,
      %swap3A_75 = vector.shape_cast %swap3A_74 : vector<1x16xf32> to vector<16xf32>
      %swap3A_76 = vector.shape_cast %add3A_71 : vector<16xf32> to vector<1x16xf32>
      tpu.vector_store %arg8[%swap3A_72, %swap3A_73], %swap3A_76 {strides = array<i32>} : memref<256x256xf32, #tpu.memory_space<vmem>>, vector<1x16xf32>,
      %mul3A_77 = arith.mulf %sub3A_70, %sub3A_70 : vector<16xf32>
      %add3A_78 = arith.addf %add3A_61, %mul3A_77 : vector<16xf32>
      %get3A_79 = arith.index_cast %add3A_29 : i32 to index
      %get3A_80 = arith.constant 48 : index
      %get3A_81 = tpu.vector_load %arg8[%get3A_79, %get3A_80] {strides = array<i32>} : memref<256x256xf32, #tpu.memory_space<vmem>>, vector<1x16xf32>,
      %get3A_82 = vector.shape_cast %get3A_81 : vector<1x16xf32> to vector<16xf32>
      %get3A_83 = arith.index_cast %scan3A_26 : i32 to index
      %get3A_84 = arith.constant 48 : index
      %get3A_85 = tpu.vector_load %arg9[%get3A_83, %get3A_84] {strides = array<i32>} : memref<128x256xf32, #tpu.memory_space<vmem>>, vector<1x16xf32>,
      %get3A_86 = vector.shape_cast %get3A_85 : vector<1x16xf32> to vector<16xf32>
      %sub3A_87 = arith.subf %get3A_82, %get3A_86 : vector<16xf32>
      %add3A_88 = arith.addf %get3A_86, %sub3A_87 : vector<16xf32>
      %swap3A_89 = arith.index_cast %add3A_29 : i32 to index
      %swap3A_90 = arith.constant 48 : index
      %swap3A_91 = tpu.vector_load %arg8[%swap3A_89, %swap3A_90] {strides = array<i32>} : memref<256x256xf32, #tpu.memory_space<vmem>>, vector<1x16xf32>,
      %swap3A_92 = vector.shape_cast %swap3A_91 : vector<1x16xf32> to vector<16xf32>
      %swap3A_93 = vector.shape_cast %add3A_88 : vector<16xf32> to vector<1x16xf32>
      tpu.vector_store %arg8[%swap3A_89, %swap3A_90], %swap3A_93 {strides = array<i32>} : memref<256x256xf32, #tpu.memory_space<vmem>>, vector<1x16xf32>,
      %mul3A_94 = arith.mulf %sub3A_87, %sub3A_87 : vector<16xf32>
      %add3A_95 = arith.addf %add3A_78, %mul3A_94 : vector<16xf32>
      %get3A_96 = arith.index_cast %add3A_29 : i32 to index
      %get3A_97 = arith.constant 64 : index
      %get3A_98 = tpu.vector_load %arg8[%get3A_96, %get3A_97] {strides = array<i32>} : memref<256x256xf32, #tpu.memory_space<vmem>>, vector<1x16xf32>,
      %get3A_99 = vector.shape_cast %get3A_98 : vector<1x16xf32> to vector<16xf32>
      %get3A_100 = arith.index_cast %scan3A_26 : i32 to index
      %get3A_101 = arith.constant 64 : index
      %get3A_102 = tpu.vector_load %arg9[%get3A_100, %get3A_101] {strides = array<i32>} : memref<128x256xf32, #tpu.memory_space<vmem>>, vector<1x16xf32>,
      %get3A_103 = vector.shape_cast %get3A_102 : vector<1x16xf32> to vector<16xf32>
      %sub3A_104 = arith.subf %get3A_99, %get3A_103 : vector<16xf32>
      %add3A_105 = arith.addf %get3A_103, %sub3A_104 : vector<16xf32>
      %swap3A_106 = arith.index_cast %add3A_29 : i32 to index
      %swap3A_107 = arith.constant 64 : index
      %swap3A_108 = tpu.vector_load %arg8[%swap3A_106, %swap3A_107] {strides = array<i32>} : memref<256x256xf32, #tpu.memory_space<vmem>>, vector<1x16xf32>,
      %swap3A_109 = vector.shape_cast %swap3A_108 : vector<1x16xf32> to vector<16xf32>
      %swap3A_110 = vector.shape_cast %add3A_105 : vector<16xf32> to vector<1x16xf32>
      tpu.vector_store %arg8[%swap3A_106, %swap3A_107], %swap3A_110 {strides = array<i32>} : memref<256x256xf32, #tpu.memory_space<vmem>>, vector<1x16xf32>,
      %mul3A_111 = arith.mulf %sub3A_104, %sub3A_104 : vector<16xf32>
      %add3A_112 = arith.addf %add3A_95, %mul3A_111 : vector<16xf32>
      %get3A_113 = arith.index_cast %add3A_29 : i32 to index
      %get3A_114 = arith.constant 80 : index
      %get3A_115 = tpu.vector_load %arg8[%get3A_113, %get3A_114] {strides = array<i32>} : memref<256x256xf32, #tpu.memory_space<vmem>>, vector<1x16xf32>,
      %get3A_116 = vector.shape_cast %get3A_115 : vector<1x16xf32> to vector<16xf32>
      %get3A_117 = arith.index_cast %scan3A_26 : i32 to index
      %get3A_118 = arith.constant 80 : index
      %get3A_119 = tpu.vector_load %arg9[%get3A_117, %get3A_118] {strides = array<i32>} : memref<128x256xf32, #tpu.memory_space<vmem>>, vector<1x16xf32>,
      %get3A_120 = vector.shape_cast %get3A_119 : vector<1x16xf32> to vector<16xf32>
      %sub3A_121 = arith.subf %get3A_116, %get3A_120 : vector<16xf32>
      %add3A_122 = arith.addf %get3A_120, %sub3A_121 : vector<16xf32>
      %swap3A_123 = arith.index_cast %add3A_29 : i32 to index
      %swap3A_124 = arith.constant 80 : index
      %swap3A_125 = tpu.vector_load %arg8[%swap3A_123, %swap3A_124] {strides = array<i32>} : memref<256x256xf32, #tpu.memory_space<vmem>>, vector<1x16xf32>,
      %swap3A_126 = vector.shape_cast %swap3A_125 : vector<1x16xf32> to vector<16xf32>
      %swap3A_127 = vector.shape_cast %add3A_122 : vector<16xf32> to vector<1x16xf32>
      tpu.vector_store %arg8[%swap3A_123, %swap3A_124], %swap3A_127 {strides = array<i32>} : memref<256x256xf32, #tpu.memory_space<vmem>>, vector<1x16xf32>,
      %mul3A_128 = arith.mulf %sub3A_121, %sub3A_121 : vector<16xf32>
      %add3A_129 = arith.addf %add3A_112, %mul3A_128 : vector<16xf32>
      %get3A_130 = arith.index_cast %add3A_29 : i32 to index
      %get3A_131 = arith.constant 96 : index
      %get3A_132 = tpu.vector_load %arg8[%get3A_130, %get3A_131] {strides = array<i32>} : memref<256x256xf32, #tpu.memory_space<vmem>>, vector<1x16xf32>,
      %get3A_133 = vector.shape_cast %get3A_132 : vector<1x16xf32> to vector<16xf32>
      %get3A_134 = arith.index_cast %scan3A_26 : i32 to index
      %get3A_135 = arith.constant 96 : index
      %get3A_136 = tpu.vector_load %arg9[%get3A_134, %get3A_135] {strides = array<i32>} : memref<128x256xf32, #tpu.memory_space<vmem>>, vector<1x16xf32>,
      %get3A_137 = vector.shape_cast %get3A_136 : vector<1x16xf32> to vector<16xf32>
      %sub3A_138 = arith.subf %get3A_133, %get3A_137 : vector<16xf32>
      %add3A_139 = arith.addf %get3A_137, %sub3A_138 : vector<16xf32>
      %swap3A_140 = arith.index_cast %add3A_29 : i32 to index
      %swap3A_141 = arith.constant 96 : index
      %swap3A_142 = tpu.vector_load %arg8[%swap3A_140, %swap3A_141] {strides = array<i32>} : memref<256x256xf32, #tpu.memory_space<vmem>>, vector<1x16xf32>,
      %swap3A_143 = vector.shape_cast %swap3A_142 : vector<1x16xf32> to vector<16xf32>
      %swap3A_144 = vector.shape_cast %add3A_139 : vector<16xf32> to vector<1x16xf32>
      tpu.vector_store %arg8[%swap3A_140, %swap3A_141], %swap3A_144 {strides = array<i32>} : memref<256x256xf32, #tpu.memory_space<vmem>>, vector<1x16xf32>,
      %mul3A_145 = arith.mulf %sub3A_138, %sub3A_138 : vector<16xf32>
      %add3A_146 = arith.addf %add3A_129, %mul3A_145 : vector<16xf32>
      %get3A_147 = arith.index_cast %add3A_29 : i32 to index
      %get3A_148 = arith.constant 112 : index
      %get3A_149 = tpu.vector_load %arg8[%get3A_147, %get3A_148] {strides = array<i32>} : memref<256x256xf32, #tpu.memory_space<vmem>>, vector<1x16xf32>,
      %get3A_150 = vector.shape_cast %get3A_149 : vector<1x16xf32> to vector<16xf32>
      %get3A_151 = arith.index_cast %scan3A_26 : i32 to index
      %get3A_152 = arith.constant 112 : index
      %get3A_153 = tpu.vector_load %arg9[%get3A_151, %get3A_152] {strides = array<i32>} : memref<128x256xf32, #tpu.memory_space<vmem>>, vector<1x16xf32>,
      %get3A_154 = vector.shape_cast %get3A_153 : vector<1x16xf32> to vector<16xf32>
      %sub3A_155 = arith.subf %get3A_150, %get3A_154 : vector<16xf32>
      %add3A_156 = arith.addf %get3A_154, %sub3A_155 : vector<16xf32>
      %swap3A_157 = arith.index_cast %add3A_29 : i32 to index
      %swap3A_158 = arith.constant 112 : index
      %swap3A_159 = tpu.vector_load %arg8[%swap3A_157, %swap3A_158] {strides = array<i32>} : memref<256x256xf32, #tpu.memory_space<vmem>>, vector<1x16xf32>,
      %swap3A_160 = vector.shape_cast %swap3A_159 : vector<1x16xf32> to vector<16xf32>
      %swap3A_161 = vector.shape_cast %add3A_156 : vector<16xf32> to vector<1x16xf32>
      tpu.vector_store %arg8[%swap3A_157, %swap3A_158], %swap3A_161 {strides = array<i32>} : memref<256x256xf32, #tpu.memory_space<vmem>>, vector<1x16xf32>,
      %mul3A_162 = arith.mulf %sub3A_155, %sub3A_155 : vector<16xf32>
      %add3A_163 = arith.addf %add3A_146, %mul3A_162 : vector<16xf32>
      %get3A_164 = arith.index_cast %add3A_29 : i32 to index
      %get3A_165 = arith.constant 128 : index
      %get3A_166 = tpu.vector_load %arg8[%get3A_164, %get3A_165] {strides = array<i32>} : memref<256x256xf32, #tpu.memory_space<vmem>>, vector<1x16xf32>,
      %get3A_167 = vector.shape_cast %get3A_166 : vector<1x16xf32> to vector<16xf32>
      %get3A_168 = arith.index_cast %scan3A_26 : i32 to index
      %get3A_169 = arith.constant 128 : index
      %get3A_170 = tpu.vector_load %arg9[%get3A_168, %get3A_169] {strides = array<i32>} : memref<128x256xf32, #tpu.memory_space<vmem>>, vector<1x16xf32>,
      %get3A_171 = vector.shape_cast %get3A_170 : vector<1x16xf32> to vector<16xf32>
      %sub3A_172 = arith.subf %get3A_167, %get3A_171 : vector<16xf32>
      %add3A_173 = arith.addf %get3A_171, %sub3A_172 : vector<16xf32>
      %swap3A_174 = arith.index_cast %add3A_29 : i32 to index
      %swap3A_175 = arith.constant 128 : index
      %swap3A_176 = tpu.vector_load %arg8[%swap3A_174, %swap3A_175] {strides = array<i32>} : memref<256x256xf32, #tpu.memory_space<vmem>>, vector<1x16xf32>,
      %swap3A_177 = vector.shape_cast %swap3A_176 : vector<1x16xf32> to vector<16xf32>
      %swap3A_178 = vector.shape_cast %add3A_173 : vector<16xf32> to vector<1x16xf32>
      tpu.vector_store %arg8[%swap3A_174, %swap3A_175], %swap3A_178 {strides = array<i32>} : memref<256x256xf32, #tpu.memory_space<vmem>>, vector<1x16xf32>,
      %mul3A_179 = arith.mulf %sub3A_172, %sub3A_172 : vector<16xf32>
      %add3A_180 = arith.addf %add3A_163, %mul3A_179 : vector<16xf32>
      %get3A_181 = arith.index_cast %add3A_29 : i32 to index
      %get3A_182 = arith.constant 144 : index
      %get3A_183 = tpu.vector_load %arg8[%get3A_181, %get3A_182] {strides = array<i32>} : memref<256x256xf32, #tpu.memory_space<vmem>>, vector<1x16xf32>,
      %get3A_184 = vector.shape_cast %get3A_183 : vector<1x16xf32> to vector<16xf32>
      %get3A_185 = arith.index_cast %scan3A_26 : i32 to index
      %get3A_186 = arith.constant 144 : index
      %get3A_187 = tpu.vector_load %arg9[%get3A_185, %get3A_186] {strides = array<i32>} : memref<128x256xf32, #tpu.memory_space<vmem>>, vector<1x16xf32>,
      %get3A_188 = vector.shape_cast %get3A_187 : vector<1x16xf32> to vector<16xf32>
      %sub3A_189 = arith.subf %get3A_184, %get3A_188 : vector<16xf32>
      %add3A_190 = arith.addf %get3A_188, %sub3A_189 : vector<16xf32>
      %swap3A_191 = arith.index_cast %add3A_29 : i32 to index
      %swap3A_192 = arith.constant 144 : index
      %swap3A_193 = tpu.vector_load %arg8[%swap3A_191, %swap3A_192] {strides = array<i32>} : memref<256x256xf32, #tpu.memory_space<vmem>>, vector<1x16xf32>,
      %swap3A_194 = vector.shape_cast %swap3A_193 : vector<1x16xf32> to vector<16xf32>
      %swap3A_195 = vector.shape_cast %add3A_190 : vector<16xf32> to vector<1x16xf32>
      tpu.vector_store %arg8[%swap3A_191, %swap3A_192], %swap3A_195 {strides = array<i32>} : memref<256x256xf32, #tpu.memory_space<vmem>>, vector<1x16xf32>,
      %mul3A_196 = arith.mulf %sub3A_189, %sub3A_189 : vector<16xf32>
      %add3A_197 = arith.addf %add3A_180, %mul3A_196 : vector<16xf32>
      %get3A_198 = arith.index_cast %add3A_29 : i32 to index
      %get3A_199 = arith.constant 160 : index
      %get3A_200 = tpu.vector_load %arg8[%get3A_198, %get3A_199] {strides = array<i32>} : memref<256x256xf32, #tpu.memory_space<vmem>>, vector<1x16xf32>,
      %get3A_201 = vector.shape_cast %get3A_200 : vector<1x16xf32> to vector<16xf32>
      %get3A_202 = arith.index_cast %scan3A_26 : i32 to index
      %get3A_203 = arith.constant 160 : index
      %get3A_204 = tpu.vector_load %arg9[%get3A_202, %get3A_203] {strides = array<i32>} : memref<128x256xf32, #tpu.memory_space<vmem>>, vector<1x16xf32>,
      %get3A_205 = vector.shape_cast %get3A_204 : vector<1x16xf32> to vector<16xf32>
      %sub3A_206 = arith.subf %get3A_201, %get3A_205 : vector<16xf32>
      %add3A_207 = arith.addf %get3A_205, %sub3A_206 : vector<16xf32>
      %swap3A_208 = arith.index_cast %add3A_29 : i32 to index
      %swap3A_209 = arith.constant 160 : index
      %swap3A_210 = tpu.vector_load %arg8[%swap3A_208, %swap3A_209] {strides = array<i32>} : memref<256x256xf32, #tpu.memory_space<vmem>>, vector<1x16xf32>,
      %swap3A_211 = vector.shape_cast %swap3A_210 : vector<1x16xf32> to vector<16xf32>
      %swap3A_212 = vector.shape_cast %add3A_207 : vector<16xf32> to vector<1x16xf32>
      tpu.vector_store %arg8[%swap3A_208, %swap3A_209], %swap3A_212 {strides = array<i32>} : memref<256x256xf32, #tpu.memory_space<vmem>>, vector<1x16xf32>,
      %mul3A_213 = arith.mulf %sub3A_206, %sub3A_206 : vector<16xf32>
      %add3A_214 = arith.addf %add3A_197, %mul3A_213 : vector<16xf32>
      %get3A_215 = arith.index_cast %add3A_29 : i32 to index
      %get3A_216 = arith.constant 176 : index
      %get3A_217 = tpu.vector_load %arg8[%get3A_215, %get3A_216] {strides = array<i32>} : memref<256x256xf32, #tpu.memory_space<vmem>>, vector<1x16xf32>,
      %get3A_218 = vector.shape_cast %get3A_217 : vector<1x16xf32> to vector<16xf32>
      %get3A_219 = arith.index_cast %scan3A_26 : i32 to index
      %get3A_220 = arith.constant 176 : index
      %get3A_221 = tpu.vector_load %arg9[%get3A_219, %get3A_220] {strides = array<i32>} : memref<128x256xf32, #tpu.memory_space<vmem>>, vector<1x16xf32>,
      %get3A_222 = vector.shape_cast %get3A_221 : vector<1x16xf32> to vector<16xf32>
      %sub3A_223 = arith.subf %get3A_218, %get3A_222 : vector<16xf32>
      %add3A_224 = arith.addf %get3A_222, %sub3A_223 : vector<16xf32>
      %swap3A_225 = arith.index_cast %add3A_29 : i32 to index
      %swap3A_226 = arith.constant 176 : index
      %swap3A_227 = tpu.vector_load %arg8[%swap3A_225, %swap3A_226] {strides = array<i32>} : memref<256x256xf32, #tpu.memory_space<vmem>>, vector<1x16xf32>,
      %swap3A_228 = vector.shape_cast %swap3A_227 : vector<1x16xf32> to vector<16xf32>
      %swap3A_229 = vector.shape_cast %add3A_224 : vector<16xf32> to vector<1x16xf32>
      tpu.vector_store %arg8[%swap3A_225, %swap3A_226], %swap3A_229 {strides = array<i32>} : memref<256x256xf32, #tpu.memory_space<vmem>>, vector<1x16xf32>,
      %mul3A_230 = arith.mulf %sub3A_223, %sub3A_223 : vector<16xf32>
      %add3A_231 = arith.addf %add3A_214, %mul3A_230 : vector<16xf32>
      %get3A_232 = arith.index_cast %add3A_29 : i32 to index
      %get3A_233 = arith.constant 192 : index
      %get3A_234 = tpu.vector_load %arg8[%get3A_232, %get3A_233] {strides = array<i32>} : memref<256x256xf32, #tpu.memory_space<vmem>>, vector<1x16xf32>,
      %get3A_235 = vector.shape_cast %get3A_234 : vector<1x16xf32> to vector<16xf32>
      %get3A_236 = arith.index_cast %scan3A_26 : i32 to index
      %get3A_237 = arith.constant 192 : index
      %get3A_238 = tpu.vector_load %arg9[%get3A_236, %get3A_237] {strides = array<i32>} : memref<128x256xf32, #tpu.memory_space<vmem>>, vector<1x16xf32>,
      %get3A_239 = vector.shape_cast %get3A_238 : vector<1x16xf32> to vector<16xf32>
      %sub3A_240 = arith.subf %get3A_235, %get3A_239 : vector<16xf32>
      %add3A_241 = arith.addf %get3A_239, %sub3A_240 : vector<16xf32>
      %swap3A_242 = arith.index_cast %add3A_29 : i32 to index
      %swap3A_243 = arith.constant 192 : index
      %swap3A_244 = tpu.vector_load %arg8[%swap3A_242, %swap3A_243] {strides = array<i32>} : memref<256x256xf32, #tpu.memory_space<vmem>>, vector<1x16xf32>,
      %swap3A_245 = vector.shape_cast %swap3A_244 : vector<1x16xf32> to vector<16xf32>
      %swap3A_246 = vector.shape_cast %add3A_241 : vector<16xf32> to vector<1x16xf32>
      tpu.vector_store %arg8[%swap3A_242, %swap3A_243], %swap3A_246 {strides = array<i32>} : memref<256x256xf32, #tpu.memory_space<vmem>>, vector<1x16xf32>,
      %mul3A_247 = arith.mulf %sub3A_240, %sub3A_240 : vector<16xf32>
      %add3A_248 = arith.addf %add3A_231, %mul3A_247 : vector<16xf32>
      %get3A_249 = arith.index_cast %add3A_29 : i32 to index
      %get3A_250 = arith.constant 208 : index
      %get3A_251 = tpu.vector_load %arg8[%get3A_249, %get3A_250] {strides = array<i32>} : memref<256x256xf32, #tpu.memory_space<vmem>>, vector<1x16xf32>,
      %get3A_252 = vector.shape_cast %get3A_251 : vector<1x16xf32> to vector<16xf32>
      %get3A_253 = arith.index_cast %scan3A_26 : i32 to index
      %get3A_254 = arith.constant 208 : index
      %get3A_255 = tpu.vector_load %arg9[%get3A_253, %get3A_254] {strides = array<i32>} : memref<128x256xf32, #tpu.memory_space<vmem>>, vector<1x16xf32>,
      %get3A_256 = vector.shape_cast %get3A_255 : vector<1x16xf32> to vector<16xf32>
      %sub3A_257 = arith.subf %get3A_252, %get3A_256 : vector<16xf32>
      %add3A_258 = arith.addf %get3A_256, %sub3A_257 : vector<16xf32>
      %swap3A_259 = arith.index_cast %add3A_29 : i32 to index
      %swap3A_260 = arith.constant 208 : index
      %swap3A_261 = tpu.vector_load %arg8[%swap3A_259, %swap3A_260] {strides = array<i32>} : memref<256x256xf32, #tpu.memory_space<vmem>>, vector<1x16xf32>,
      %swap3A_262 = vector.shape_cast %swap3A_261 : vector<1x16xf32> to vector<16xf32>
      %swap3A_263 = vector.shape_cast %add3A_258 : vector<16xf32> to vector<1x16xf32>
      tpu.vector_store %arg8[%swap3A_259, %swap3A_260], %swap3A_263 {strides = array<i32>} : memref<256x256xf32, #tpu.memory_space<vmem>>, vector<1x16xf32>,
      %mul3A_264 = arith.mulf %sub3A_257, %sub3A_257 : vector<16xf32>
      %add3A_265 = arith.addf %add3A_248, %mul3A_264 : vector<16xf32>
      %get3A_266 = arith.index_cast %add3A_29 : i32 to index
      %get3A_267 = arith.constant 224 : index
      %get3A_268 = tpu.vector_load %arg8[%get3A_266, %get3A_267] {strides = array<i32>} : memref<256x256xf32, #tpu.memory_space<vmem>>, vector<1x16xf32>,
      %get3A_269 = vector.shape_cast %get3A_268 : vector<1x16xf32> to vector<16xf32>
      %get3A_270 = arith.index_cast %scan3A_26 : i32 to index
      %get3A_271 = arith.constant 224 : index
      %get3A_272 = tpu.vector_load %arg9[%get3A_270, %get3A_271] {strides = array<i32>} : memref<128x256xf32, #tpu.memory_space<vmem>>, vector<1x16xf32>,
      %get3A_273 = vector.shape_cast %get3A_272 : vector<1x16xf32> to vector<16xf32>
      %sub3A_274 = arith.subf %get3A_269, %get3A_273 : vector<16xf32>
      %add3A_275 = arith.addf %get3A_273, %sub3A_274 : vector<16xf32>
      %swap3A_276 = arith.index_cast %add3A_29 : i32 to index
      %swap3A_277 = arith.constant 224 : index
      %swap3A_278 = tpu.vector_load %arg8[%swap3A_276, %swap3A_277] {strides = array<i32>} : memref<256x256xf32, #tpu.memory_space<vmem>>, vector<1x16xf32>,
      %swap3A_279 = vector.shape_cast %swap3A_278 : vector<1x16xf32> to vector<16xf32>
      %swap3A_280 = vector.shape_cast %add3A_275 : vector<16xf32> to vector<1x16xf32>
      tpu.vector_store %arg8[%swap3A_276, %swap3A_277], %swap3A_280 {strides = array<i32>} : memref<256x256xf32, #tpu.memory_space<vmem>>, vector<1x16xf32>,
      %mul3A_281 = arith.mulf %sub3A_274, %sub3A_274 : vector<16xf32>
      %add3A_282 = arith.addf %add3A_265, %mul3A_281 : vector<16xf32>
      %get3A_283 = arith.index_cast %add3A_29 : i32 to index
      %get3A_284 = arith.constant 240 : index
      %get3A_285 = tpu.vector_load %arg8[%get3A_283, %get3A_284] {strides = array<i32>} : memref<256x256xf32, #tpu.memory_space<vmem>>, vector<1x16xf32>,
      %get3A_286 = vector.shape_cast %get3A_285 : vector<1x16xf32> to vector<16xf32>
      %get3A_287 = arith.index_cast %scan3A_26 : i32 to index
      %get3A_288 = arith.constant 240 : index
      %get3A_289 = tpu.vector_load %arg9[%get3A_287, %get3A_288] {strides = array<i32>} : memref<128x256xf32, #tpu.memory_space<vmem>>, vector<1x16xf32>,
      %get3A_290 = vector.shape_cast %get3A_289 : vector<1x16xf32> to vector<16xf32>
      %sub3A_291 = arith.subf %get3A_286, %get3A_290 : vector<16xf32>
      %add3A_292 = arith.addf %get3A_290, %sub3A_291 : vector<16xf32>
      %swap3A_293 = arith.index_cast %add3A_29 : i32 to index
      %swap3A_294 = arith.constant 240 : index
      %swap3A_295 = tpu.vector_load %arg8[%swap3A_293, %swap3A_294] {strides = array<i32>} : memref<256x256xf32, #tpu.memory_space<vmem>>, vector<1x16xf32>,
      %swap3A_296 = vector.shape_cast %swap3A_295 : vector<1x16xf32> to vector<16xf32>
      %swap3A_297 = vector.shape_cast %add3A_292 : vector<16xf32> to vector<1x16xf32>
      tpu.vector_store %arg8[%swap3A_293, %swap3A_294], %swap3A_297 {strides = array<i32>} : memref<256x256xf32, #tpu.memory_space<vmem>>, vector<1x16xf32>,
      %mul3A_298 = arith.mulf %sub3A_291, %sub3A_291 : vector<16xf32>
      %add3A_299 = arith.addf %add3A_282, %mul3A_298 : vector<16xf32>
      scf.yield %add3A_299 : vector<16xf32>
    }
    %scan3A_22 = arith.constant 128 : i32
    %swap3A = arith.constant 0 : index
    %swap3A_23 = tpu.vector_load %arg10[%swap3A] {strides = array<i32>} : memref<16xf32, #tpu.memory_space<vmem>>, vector<16xf32>,
    %swap3A_24 = vector.shape_cast %swap3A_23 : vector<16xf32> to vector<16xf32>
    %swap3A_25 = vector.shape_cast %scan3A_21 : vector<16xf32> to vector<16xf32>
    tpu.vector_store %arg10[%swap3A], %swap3A_25 {strides = array<i32>} : memref<16xf32, #tpu.memory_space<vmem>>, vector<16xf32>,
    "tpu.region"() ({
      %run_scoped3A = tpu.sem_alloc : memref<!tpu.dma_semaphore, #tpu.memory_space<semaphore_mem>>
      %dma_start3A_26 = arith.constant 0 : i32
      %dma_start3A_27 = tpu.memref_slice %arg5[%mul3A_2, %dma_start3A_26] : memref<8192x256xf32, #tpu.memory_space<hbm>> -> memref<256x256xf32, #tpu.memory_space<hbm>>
      %dma_start3A_28 = arith.constant 0 : i32
      %dma_start3A_29 = tpu.memref_slice %arg5[%mul3A_2, %dma_start3A_28] : memref<8192x256xf32, #tpu.memory_space<hbm>> -> memref<256x256xf32, #tpu.memory_space<hbm>>
      tpu.enqueue_dma source(%arg8 : memref<256x256xf32, #tpu.memory_space<vmem>>) target(%dma_start3A_29 : memref<256x256xf32, #tpu.memory_space<hbm>>) target_semaphore(%run_scoped3A : memref<!tpu.dma_semaphore, #tpu.memory_space<semaphore_mem>>)
      %dma_wait3A_30 = arith.constant 0 : i32
      %dma_wait3A_31 = tpu.memref_slice %arg5[%mul3A_2, %dma_wait3A_30] : memref<8192x256xf32, #tpu.memory_space<hbm>> -> memref<256x256xf32, #tpu.memory_space<hbm>>
      %dma_wait3A_32 = arith.constant 0 : i32
      %dma_wait3A_33 = tpu.memref_slice %arg5[%mul3A_2, %dma_wait3A_32] : memref<8192x256xf32, #tpu.memory_space<hbm>> -> memref<256x256xf32, #tpu.memory_space<hbm>>
      tpu.wait_dma2 semaphore(%run_scoped3A : memref<!tpu.dma_semaphore, #tpu.memory_space<semaphore_mem>>) src(%arg8 : memref<256x256xf32, #tpu.memory_space<vmem>>) dst(%dma_wait3A_33 : memref<256x256xf32, #tpu.memory_space<hbm>>)
      tpu.yield
    }) : () -> ()
    "tpu.region"() ({
      %run_scoped3A = tpu.sem_alloc : memref<!tpu.dma_semaphore, #tpu.memory_space<semaphore_mem>>
      %dma_start3A_26 = arith.constant 0 : i32
      %dma_start3A_27 = tpu.memref_slice %arg6[%add3A, %dma_start3A_26] : memref<32x16xf32, #tpu.memory_space<hbm>> -> memref<1x16xf32, #tpu.memory_space<hbm>>
      %dma_start3A_28 = tpu.memref_squeeze %dma_start3A_27 : memref<1x16xf32, #tpu.memory_space<hbm>> -> memref<16xf32, #tpu.memory_space<hbm>>
      %dma_start3A_29 = arith.constant 0 : i32
      %dma_start3A_30 = tpu.memref_slice %arg6[%add3A, %dma_start3A_29] : memref<32x16xf32, #tpu.memory_space<hbm>> -> memref<1x16xf32, #tpu.memory_space<hbm>>
      %dma_start3A_31 = tpu.memref_squeeze %dma_start3A_30 : memref<1x16xf32, #tpu.memory_space<hbm>> -> memref<16xf32, #tpu.memory_space<hbm>>
      tpu.enqueue_dma source(%arg10 : memref<16xf32, #tpu.memory_space<vmem>>) target(%dma_start3A_31 : memref<16xf32, #tpu.memory_space<hbm>>) target_semaphore(%run_scoped3A : memref<!tpu.dma_semaphore, #tpu.memory_space<semaphore_mem>>)
      %dma_wait3A_32 = arith.constant 0 : i32
      %dma_wait3A_33 = tpu.memref_slice %arg6[%add3A, %dma_wait3A_32] : memref<32x16xf32, #tpu.memory_space<hbm>> -> memref<1x16xf32, #tpu.memory_space<hbm>>
      %dma_wait3A_34 = tpu.memref_squeeze %dma_wait3A_33 : memref<1x16xf32, #tpu.memory_space<hbm>> -> memref<16xf32, #tpu.memory_space<hbm>>
      %dma_wait3A_35 = arith.constant 0 : i32
      %dma_wait3A_36 = tpu.memref_slice %arg6[%add3A, %dma_wait3A_35] : memref<32x16xf32, #tpu.memory_space<hbm>> -> memref<1x16xf32, #tpu.memory_space<hbm>>
      %dma_wait3A_37 = tpu.memref_squeeze %dma_wait3A_36 : memref<1x16xf32, #tpu.memory_space<hbm>> -> memref<16xf32, #tpu.memory_space<hbm>>
      tpu.wait_dma2 semaphore(%run_scoped3A : memref<!tpu.dma_semaphore, #tpu.memory_space<semaphore_mem>>) src(%arg10 : memref<16xf32, #tpu.memory_space<vmem>>) dst(%dma_wait3A_37 : memref<16xf32, #tpu.memory_space<hbm>>)
      tpu.yield
    }) : () -> ()
    return
  }
}

module attributes {stable_mosaic.version = 14 : i64} {
  func.func @_dist_argmin_body(%arg0: i32, %arg1: memref<256x256xf32, #tpu.memory_space<vmem>>, %arg2: memref<8192x256xf32, #tpu.memory_space<vmem>>, %arg3: memref<1x1x256xi32, #tpu.memory_space<vmem>>, %arg4: memref<8192xf32, #tpu.memory_space<vmem>>) attributes {dimension_semantics = [#tpu.dimension_semantics<arbitrary>], iteration_bounds = array<i64: 32>, scalar_prefetch = 0 : i64, scratch_operands = 1 : i64, tpu.core_type = #tpu.core_type<tc>, window_params = [{transform_indices = @transform_0, window_bounds = array<i64: 256, 256>}, {pipeline_mode = #tpu.pipeline_mode<synchronous>, transform_indices = @transform_1, window_bounds = array<i64: 8192, 256>}, {transform_indices = @transform_2, window_bounds = array<i64: 1, 1, 256>}]} {
    %eq3A = arith.constant 0 : i32
    %eq3A_0 = arith.cmpi eq, %arg0, %eq3A : i32
    %convert_element_type3A = arith.extui %eq3A_0 : i1 to i32
    %cond3A = arith.constant 0 : i32
    %cond3A_1 = arith.cmpi ne, %convert_element_type3A, %cond3A : i32
    scf.if %cond3A_1 {
      %get3A_21 = arith.constant 0 : index
      %get3A_22 = arith.constant 0 : index
      %get3A_23 = vector.load %arg2[%get3A_21, %get3A_22] : memref<8192x256xf32, #tpu.memory_space<vmem>>, vector<8192x256xf32>
      %integer_pow3A_24 = arith.mulf %get3A_23, %get3A_23 : vector<8192x256xf32>
      %reduce_sum3A_25 = arith.constant dense<0.000000e+00> : vector<8192xf32>
      %reduce_sum3A_26 = vector.multi_reduction <add>, %integer_pow3A_24, %reduce_sum3A_25 [1] : vector<8192x256xf32> to vector<8192xf32>
      %swap3A_27 = arith.constant 0 : index
      %swap3A_28 = vector.load %arg4[%swap3A_27] : memref<8192xf32, #tpu.memory_space<vmem>>, vector<8192xf32>
      tpu.vector_store %arg4[%swap3A_27], %reduce_sum3A_26 {strides = array<i32>} : memref<8192xf32, #tpu.memory_space<vmem>>, vector<8192xf32>,
    } else {
    }
    %get3A = arith.constant 0 : index
    %get3A_2 = arith.constant 0 : index
    %get3A_3 = vector.load %arg1[%get3A, %get3A_2] : memref<256x256xf32, #tpu.memory_space<vmem>>, vector<256x256xf32>
    %get3A_4 = arith.constant 0 : index
    %get3A_5 = arith.constant 0 : index
    %get3A_6 = vector.load %arg2[%get3A_4, %get3A_5] : memref<8192x256xf32, #tpu.memory_space<vmem>>, vector<8192x256xf32>
    %integer_pow3A = arith.mulf %get3A_3, %get3A_3 : vector<256x256xf32>
    %reduce_sum3A = arith.constant dense<0.000000e+00> : vector<256xf32>
    %reduce_sum3A_7 = vector.multi_reduction <add>, %integer_pow3A, %reduce_sum3A [1] : vector<256x256xf32> to vector<256xf32>
    %broadcast_in_dim3A = vector.shape_cast %reduce_sum3A_7 : vector<256xf32> to vector<256x1xf32>
    %dot_general3A = arith.constant dense<0.000000e+00> : vector<256x8192xf32>
    %dot_general3A_8 = tpu.matmul %get3A_3, %get3A_6, %dot_general3A {dimension_numbers = #tpu.dot_dimension_numbers<[1], [1], [0], [0], [0, 0, 1, 0], [], []>, transpose_lhs_hint = false} : vector<256x256xf32>, vector<8192x256xf32>, vector<256x8192xf32> -> vector<256x8192xf32>
    %mul3A = arith.constant 2.000000e+00 : f32
    %mul3A_9 = vector.broadcast %mul3A : f32 to vector<256x8192xf32>
    %mul3A_10 = arith.mulf %mul3A_9, %dot_general3A_8 : vector<256x8192xf32>
    %sub3A = vector.broadcast %broadcast_in_dim3A : vector<256x1xf32> to vector<256x8192xf32>
    %sub3A_11 = arith.subf %sub3A, %mul3A_10 : vector<256x8192xf32>
    %get3A_12 = arith.constant 0 : index
    %get3A_13 = vector.load %arg4[%get3A_12] : memref<8192xf32, #tpu.memory_space<vmem>>, vector<8192xf32>
    %broadcast_in_dim3A_14 = vector.shape_cast %get3A_13 : vector<8192xf32> to vector<1x8192xf32>
    %add3A = vector.broadcast %broadcast_in_dim3A_14 : vector<1x8192xf32> to vector<256x8192xf32>
    %add3A_15 = arith.addf %sub3A_11, %add3A : vector<256x8192xf32>
    %argmin3A = tpu.reduce_index %add3A_15 {axis = 1 : i32, kind = #tpu.reduction_kind<arg_min>} : vector<256x8192xf32> -> vector<256xi32>
    %swap3A = arith.constant 0 : index
    %swap3A_16 = arith.constant 0 : index
    %swap3A_17 = arith.constant 0 : index
    %swap3A_18 = vector.load %arg3[%swap3A, %swap3A_16, %swap3A_17] : memref<1x1x256xi32, #tpu.memory_space<vmem>>, vector<1x1x256xi32>
    %swap3A_19 = vector.shape_cast %swap3A_18 : vector<1x1x256xi32> to vector<256xi32>
    %swap3A_20 = vector.shape_cast %argmin3A : vector<256xi32> to vector<1x1x256xi32>
    tpu.vector_store %arg3[%swap3A, %swap3A_16, %swap3A_17], %swap3A_20 {strides = array<i32>} : memref<1x1x256xi32, #tpu.memory_space<vmem>>, vector<1x1x256xi32>,
    return
  }
  func.func @transform_0(%arg0: i32) -> (i32, i32) {
    %c0_i32 = arith.constant 0 : i32
    %c0_i32_0 = arith.constant 0 : i32
    return %arg0, %c0_i32 : i32, i32
  }
  func.func @transform_1(%arg0: i32) -> (i32, i32) {
    %c0_i32 = arith.constant 0 : i32
    %c0_i32_0 = arith.constant 0 : i32
    %c0_i32_1 = arith.constant 0 : i32
    return %c0_i32, %c0_i32_0 : i32, i32
  }
  func.func @transform_2(%arg0: i32) -> (i32, i32, i32) {
    %c0_i32 = arith.constant 0 : i32
    %c0_i32_0 = arith.constant 0 : i32
    %c0_i32_1 = arith.constant 0 : i32
    return %arg0, %c0_i32, %c0_i32_0 : i32, i32, i32
  }
}

</mosaic_0001>

<sc_bundles>
// kernel: kernel.4.cloned.1.call-start
scs
__scs_entry_jumppad:
0x0: {  	(pc) =	sbr.rel $0x88, $3  }
0x1: {  	(tag) =	ssettag $0x0;
	lr =	simm.s32 $0x1  }
0x2: {  	[smem:$0x3F9F] =	sst lr;
	_ =	strace $0xD0000000  }
0x3: {  	_ = 	snop  }
0x4: {  	_ = 	snop  }
0x5: {  	_ = 	snop  }
0x6: {  	_ = 	snop  }
0x7: {  	_ = 	snop  }
__scs_overlays_trampoline_lowered:
0x8: {  	[smem:$0x3FAE] =	sst s0  }
0x9: {  	[smem:$0x3FAF] =	sst s1  }
0xa: {  	[smem:$0x3FB0] =	sst s2  }
0xb: {  	[smem:$0x3FB1] =	sst s3  }
0xc: {  	[smem:$0x3FB2] =	sst s4  }
0xd: {  	[smem:$0x3FB3] =	sst s5  }
0xe: {  	[smem:$0x3FB4] =	sst s6  }
0xf: {  	[smem:$0x3FB5] =	sst s7  }
0x10: {  	[smem:$0x3FB6] =	sst s8  }
0x11: {  	[smem:$0x3FB7] =	sst s9;
	s0 =	simm.s32 @!p0 $0x0  }
0x12: {  	s1 =	sld [smem:$0x3F9D];
	s0 =	simm.s32 @p0 $0x1  }
0x13: {  	[smem:$0x3FB8] =	sst s0;
	s0 =	simm.s32 @!p1 $0x0  }
0x14: {  	s2 =	sld [smem:$0x3F9C];
	s0 =	simm.s32 @p1 $0x1  }
0x15: {  	[smem:$0x3FB9] =	sst s0;
	s0 =	simm.s32 @!p2 $0x0  }
0x16: {  	s3 =	sld [smem:$0x3FDB];
	s0 =	simm.s32 @p2 $0x1  }
0x17: {  	s4 =	simm.s32 $0x1BF5;
	[smem:$0x3FBB] =	sst s0  }
0x18: {  	s0 =	sld [smem:$0x3F9E];
	_ =	swait.ge [sflag:s4], $0x0  }
0x19: {  	s7 =	sld [smem:$0x3F9F]  }
0x1a: {  	s8 =	sadd.s32 $0xFFFFE003, lr  }
0x1b: {  	s9 =	sadd.s32 $0xFFFFFEF7, lr;
	s5 =	simm.s32 $0xFFFFFFFF;
	p2 =	slt.u32 s8, $0xFFFFF086  }
0x1c: {  	p1 =	slt.u32 s9, $0xF7A;
	s5 =	simm.s32 @!p2 $0x0  }
0x1d: {  	s5 =	simm.s32 @p1 $0x1;
	p0 =	seq.s32 s7, s2  }
0x1e: {  	s7 =	smul.u32 @!p0 $0xF7A, s2;
	p2 =	seq.s32 @!p0 s5, $0x0  }
0x1f: {  	s9 =	smul.u32 $0xF7A, s1;
	s8 =	simm.s32 @!p0 $0x1BF5;
	p2 =	por !p2, p0  }
0x20: {  	[sflag:s8] =	ssyncset.s32 @!p0 $0xFFFFF086;
	s6 =	sadd.s32 @!p0 s3, s7;
	s7 =	simm.s32 @!p0 $0x108  }
0x21: {  	s3 =	sadd.s32 s3, s9;
	s6 =	sadd.s32 @!p0 $0x88, s6;
	s7 =	simm.s32 @p2 $0x1082  }
0x22: {  	[simem:s7], [sflag:s8] =	dma.local @!p0 [hbm:s6], $0xF7A  }
0x23: {  	s9 =	sor.u32 $0xD0000000, s2;
	s6 =	simm.s32 $0x108;
	_ =	swait.ge @!p0 [sflag:s8], $0x0  }
0x24: {  	s3 =	sadd.s32 $0x88, s3;
	s6 =	simm.s32 @!p1 $0x1082;
	[sflag:s4] =	ssyncset.s32 $0xFFFFF086  }
0x25: {  	[simem:s6], [sflag:s4] =	dma.local [hbm:s3], $0xF7A  }
0x26: {  	[smem:$0x3F9F] =	sst s1;
	(tag) =	ssettag s2;
	_ =	strace s9  }
0x27: {  	s1 =	sld [smem:$0x3FAF]  }
0x28: {  	s2 =	sld [smem:$0x3FB0]  }
0x29: {  	s4 =	sld [smem:$0x3FB2]  }
0x2a: {  	p0 =	seq.s32 s5, $0x0;
	s5 =	sld [smem:$0x3FB3]  }
0x2b: {  	s6 =	sld [smem:$0x3FB4]  }
0x2c: {  	s7 =	sld [smem:$0x3FB5]  }
0x2d: {  	s3 =	simm.s32 $0x108;
	s8 =	sld [smem:$0x3FB6]  }
0x2e: {  	s3 =	simm.s32 @!p0 $0x1082;
	s9 =	sld [smem:$0x3FB7]  }
0x2f: {  	lr =	sadd.s32 s0, s3;
	s0 =	sld [smem:$0x3FAE]  }
0x30: {  	s3 =	sld [smem:$0x3FB1]  }
0x31: {  	[smem:$0x3FBA] =	sst s10  }
0x32: {  	s10 =	sld [smem:$0x3FB8];
	_ =	sdelay $0x3  }
0x33: {  	p0 =	seq.s32 s10, $0x1;
	s10 =	sld [smem:$0x3FBA];
	_ =	sdelay $0x3  }
0x34: {  	[smem:$0x3FBA] =	sst s10  }
0x35: {  	s10 =	sld [smem:$0x3FB9];
	_ =	sdelay $0x3  }
0x36: {  	p1 =	seq.s32 s10, $0x1;
	s10 =	sld [smem:$0x3FBA];
	_ =	sdelay $0x3  }
0x37: {  	[smem:$0x3FBA] =	sst s10  }
0x38: {  	s10 =	sld [smem:$0x3FBB]  }
0x39: {  	_ = 	snop;
	(pc) =	sbr.ind lr, $3  }
0x3a: {  	_ = 	snop  }
0x3b: {  	_ = 	snop  }
0x3c: {  	p2 =	seq.s32 s10, $0x1;
	s10 =	sld [smem:$0x3FBA]  }
0x3d: {  	_ =	shalt  }
0x3e: {  	_ =	shalt  }
0x3f: {  	_ =	shalt  }
0x40: {  	_ =	shalt  }
0x41: {  	_ =	shalt  }
0x42: {  	_ =	shalt  }
0x43: {  	_ =	shalt  }
0x44: {  	_ =	shalt  }
0x45: {  	_ =	shalt  }
0x46: {  	_ =	shalt  }
0x47: {  	_ =	shalt  }
0x48: {  	_ =	shalt  }
0x49: {  	_ =	shalt  }
0x4a: {  	_ =	shalt  }
0x4b: {  	_ =	shalt  }
0x4c: {  	_ =	shalt  }
0x4d: {  	_ =	shalt  }
0x4e: {  	_ =	shalt  }
0x4f: {  	_ =	shalt  }
0x50: {  	_ =	shalt  }
0x51: {  	_ =	shalt  }
0x52: {  	_ =	shalt  }
0x53: {  	_ =	shalt  }
0x54: {  	_ =	shalt  }
0x55: {  	_ =	shalt  }
0x56: {  	_ =	shalt  }
0x57: {  	_ =	shalt  }
0x58: {  	_ =	shalt  }
0x59: {  	_ =	shalt  }
0x5a: {  	_ =	shalt  }
0x5b: {  	_ =	shalt  }
0x5c: {  	_ =	shalt  }
0x5d: {  	_ =	shalt  }
0x5e: {  	_ =	shalt  }
0x5f: {  	_ =	shalt  }
0x60: {  	_ =	shalt  }
0x61: {  	_ =	shalt  }
0x62: {  	_ =	shalt  }
0x63: {  	_ =	shalt  }
0x64: {  	_ =	shalt  }
0x65: {  	_ =	shalt  }
0x66: {  	_ =	shalt  }
0x67: {  	_ =	shalt  }
0x68: {  	_ =	shalt  }
0x69: {  	_ =	shalt  }
0x6a: {  	_ =	shalt  }
0x6b: {  	_ =	shalt  }
0x6c: {  	_ =	shalt  }
0x6d: {  	_ =	shalt  }
0x6e: {  	_ =	shalt  }
0x6f: {  	_ =	shalt  }
0x70: {  	_ =	shalt  }
0x71: {  	_ =	shalt  }
0x72: {  	_ =	shalt  }
0x73: {  	_ =	shalt  }
0x74: {  	_ =	shalt  }
0x75: {  	_ =	shalt  }
0x76: {  	_ =	shalt  }
0x77: {  	_ =	shalt  }
0x78: {  	_ =	shalt  }
0x79: {  	_ =	shalt  }
0x7a: {  	_ =	shalt  }
0x7b: {  	_ =	shalt  }
0x7c: {  	_ =	shalt  }
0x7d: {  	_ =	shalt  }
0x7e: {  	_ =	shalt  }
0x7f: {  	_ =	shalt  }
0x80: {  	_ =	shalt  }
0x81: {  	_ =	shalt  }
0x82: {  	_ =	shalt  }
0x83: {  	_ =	shalt  }
0x84: {  	_ =	shalt  }
0x85: {  	_ =	shalt  }
0x86: {  	_ =	shalt  }
0x87: {  	_ =	shalt  }
.Lfunc_end0:
.L_simem_size_0:
called_computation_lowered:
.L_overlay_start_0:
0x88: {  	s2 =	sld [smem:$0x3FD9]  }
0x89: {  	s3 =	sld [smem:$0x3FFE];
	_ =	sdelay $0x1  }
0x8a: {  	s1 =	srdreg.scid  }
0x8b: {  	s0 =	sand.u32 $0x1, s1  }
0x8c: {  	s14 =	sshll.u32 s0, $0xA;
	s2 =	sadd.s32 s3, s2  }
0x8d: {  	s2 =	sadd.s32 s2, s14  }
0x8e: {  	[smem:$0x3FC6] =	sst s2  }
0x8f: {  	_ = 	snop  }
0x90: {  	s2 =	sld [smem:$0x3FD0];
	_ =	sdelay $0x1  }
0x91: {  	s15 =	sld [smem:$0x3FC9]  }
0x92: {  	s5 =	simm.s32 $0xA;
	s6 =	simm.s32 $0x10;
	s4 =	sld [smem:$0x3FC8]  }
0x93: {  	[smem:s6], [sflag:s5] =	dma.local [hbm:s2], $0x1  }
0x94: {  	_ =	swait.eq [sflag:s5], $0x1  }
0x95: {  	[sflag:s5] =	ssyncset.done $0x0  }
0x96: {  	[sflag:s5] =	ssyncadd.s32 $0xFFFFFFFF  }
0x97: {  	s16 =	sld [smem:$0x10];
	(tm) =	ssettm $0x1  }
0x98: {  	s17 =	sld [smem:$0x3FFB];
	_ =	sdelay $0x3  }
0x99: {  	_ =	strace s17  }
0x9a: {  	s5 =	sld [smem:$0x3FFC];
	_ =	sdelay $0x3  }
0x9b: {  	_ =	strace s5  }
0x9c: {  	s5 =	sld [smem:$0x3FFD];
	_ =	sdelay $0x3  }
0x9d: {  	_ =	strace s5  }
0x9e: {  	_ =	strace $0x8FFFFFFF  }
0x9f: {  	s18 =	sld [smem:$0x3FDB];
	_ =	sdelay $0x1  }
0xa0: {  	s19 =	simm.s32 $_scs_section_size  }
0xa1: {  	s7 =	simm.s32 $_size__tile_overlayer_lowered;
	s8 =	simm.s32 $_tile_overlayer_lowered  }
0xa2: {  	s22 =	simm.s32 $0x1BFF;
	s21 =	sshll.u32 s8, $0x1;
	s5 =	sadd.s32 s19, s18  }
0xa3: {  	s9 =	simm.s32 $0x0;
	s20 =	sshll.u32 s7, $0x1;
	s7 =	sadd.s32 s21, s5  }
0xa4: {  	[timem:s9], [sflag:s22] =	dma.local [hbm:s7], s20  }
0xa5: {  	_ =	swait.ge [sflag:s22], s20  }
0xa6: {  	s6 =	ssub.s32 $0x0, s20;
	[sflag:s22] =	ssyncset.done $0x0  }
0xa7: {  	[sflag:s22] =	ssyncadd.s32 s6;
	_ =	sdelay $0x1  }
0xa8: {  	s23 =	simm.s32 $0x1B8B  }
0xa9: {  	_ =	swait.ge [sflag:s23], $0x1  }
0xaa: {  	[sflag:s23] =	ssyncset.done $0x0  }
0xab: {  	s25 =	simm.s32 $0x1B8E;
	s24 =	sld [smem:$0x3FFE];
	[sflag:s23] =	ssyncadd.s32 $0xFFFFFFFF  }
0xac: {  	s26 =	simm.s32 $execute0_lowered;
	[smem:$0x3FD2] =	sst s25  }
0xad: {  	s7 =	sshll.u32 s26, $0x1;
	_ =	strace $0x80000046;
	[dreg:$0x1] =	wrdreg $0xFFFFFFFF  }
0xae: {  	s28 =	simm.s32 $_size_execute0_lowered;
	s5 =	sadd.s32 s5, s7;
	[dreg:$0x0] =	wrdreg $0x0  }
0xaf: {  	s7 =	sshll.u32 s28, $0x1;
	[dreg:$0x2] =	wrdreg s5  }
0xb0: {  	[dreg:$0x3] =	wrdreg s7  }
0xb1: {  	[dreg:$0x4] =	wrdreg $0xC0  }
0xb2: {  	_ =	task [dreg:s9], $0x5FFFF  }
0xb3: {  	[dreg:$0x1] =	wrdreg $0xFFFFFFFF  }
0xb4: {  	[dreg:$0x0] =	wrdreg $0x60  }
0xb5: {  	[dreg:$0x2] =	wrdreg s4  }
0xb6: {  	[dreg:$0x3] =	wrdreg s24  }
0xb7: {  	[dreg:$0x4] =	wrdreg s15  }
0xb8: {  	[dreg:$0x5] =	wrdreg s16  }
0xb9: {  	[dreg:$0x6] =	wrdreg $0x9  }
0xba: {  	_ =	task.clear_ibuf [dreg:s9], $0x7FFFF;
	_ =	strace $0x90000046  }
0xbb: {  	s29 =	simm.s32 $0x9;
	_ =	strace $0x80000048  }
0xbc: {  	_ =	swait.ge [sflag:s29], $0x1  }
0xbd: {  	[sflag:s29] =	ssyncadd.s32 $0xFFFFFFFF  }
0xbe: {  	_ =	strace $0x90000048  }
0xbf: {  	_ =	sfence  }
0xc0: {  	s30 =	sld [smem:$0x0];
	_ =	sdelay $0x2  }
0xc1: {  	s31 =	sshll.u32 s1, $0xD;
	s1 =	sshrl.u32 s1, $0x2  }
0xc2: {  	s3 =	sand.u32 $0x4000, s31;
	s1 =	sadd.s32 s1, s30  }
0xc3: {  	s0 =	sor.u32 s3, s0;
	s1 =	sshll.u32 s1, $0x11  }
0xc4: {  	s0 =	sor.u32 s1, s0  }
0xc5: {  	s0 =	sadd.s32 $0x8F2B, s0  }
0xc6: {  	[sflag:s0] =	ssyncadd.remote.s32 $0x1  }
0xc7: {  	_ =	sfence.sel $0xFFFF  }
0xc8: {  	[dreg:$0x0] =	wrdreg $0xFFFFFFFF;
	(pc) =	sbr.abs _section_cstart, $3  }
0xc9: {  	[dreg:$0x1] =	wrdreg $0xFFFFFFFF  }
0xca: {  	_ =	task.clear_ibuf [dreg:s9], $0x2FFFF;
	_ =	strace $0x9FFFFFFF  }
0xcb: {  	(tm) =	ssettm $0x7FFFFFFF  }
tec
execute0_lowered:
.L_overlay_start_1:
0x0: {  	(tag) =	ssettag $0x1  }
0x1: {  	s1 =	rddreg [dreg:$0x0]  }
0x2: {  	s0 =	rddreg [dreg:$0x1]  }
0x3: {  	s2 =	rddreg [dreg:$0x2];
	s3 =	srdreg.scid  }
0x4: {  	s5 =	stileid.u32;
	s7 =	rddreg [dreg:$0x3];
	s11 =	simm.s32 $0x100  }
0x5: {  	s12 =	simm.s32 $0xB100;
	s13 =	simm.s32 $0xB900;
	s14 =	simm.s32 $0xC100  }
0x6: {  	s15 =	simm.s32 $0xC900;
	s16 =	simm.s32 $0xD100;
	s17 =	simm.s32 $0xD900  }
0x7: {  	s18 =	simm.s32 $0xE100;
	s19 =	simm.s32 $0xE900;
	s20 =	simm.s32 $0xF100  }
0x8: {  	s21 =	simm.s32 $0xF900;
	s22 =	simm.s32 $0x1;
	s23 =	simm.s32 $0x10100  }
0x9: {  	s24 =	simm.s32 $0x18100;
	s4 =	sand.u32 $0x1, s3;
	s5 =	sshll.u32 s5, $0x1  }
0xa: {  	s25 =	simm.s32 $0x0;
	s3 =	simm.s32 $0x0;
	s5 =	sor.u32 s4, s5  }
0xb: {  	[smem:$0x7FF] =	sst s3;
	s4 =	ssub.s32 $0x2, s4;
	s6 =	sshll.u32 s5, $0x5  }
0xc: {  	_ =	strace $0x80000047;
	s8 =	sshll.u32 s5, $0x4;
	s9 =	sshrl.u32 s4, $0x1  }
0xd: {  	s10 =	sshll.u32 s5, $0xD;
	s6 =	sadd.s32 s6, s0;
	s0 =	sadd.s32 s8, s0  }
0xe: {  	v2 =	vlaneseq.u32;
	s9 =	ssub.s32 s4, s9;
	s4 =	sadd.s32 s2, s10;
	s7 =	sadd.s32 s7, s10  }
0xf: {  	vm0 =	vmmov $0xffff;
	v1 =	vshrl.u32 v2, $0x3;
	s10 =	simm.s32 $0x2;
	s5 =	sadd.s32 $0x600, s6;
	s6 =	sadd.s32 $0x1000, s4  }
0x10: {  	v0 =	vand.u32 $0x7, v2;
	v2 =	vor.u32 $0x8, v2;
	v1 =	vmul.u32 $0x8, v1;
	s8 =	sadd.s32 $0xA00, s0;
	s9 =	smax.u32 s9, $0x1;
	s0 =	simm.s32 $0xA900  }
.LBB2_1:
0x11: {  	[tilespmem:s3], [sflag:$0x2] =	stream.linear.gather [hbm4b:s5+s3], $0x100, $0x38;
	[tilespmem:$0x18180] =	vst v63  }
0x12: {  	_ =	swait.ge [sflag:s10], $0x100  }
0x13: {  	[sflag:s10] =	ssyncset.done $0x0  }
0x14: {  	[sflag:s10] =	ssyncadd.s32 $0xFFFFFF00  }
0x15: {  	v3 =	vld [tilespmem:$0x0];
	_ =	sdelay $0x4  }
0x16: {  	v4 =	vshll.u32 v3, $0x1  }
0x17: {  	v3 =	vand.u32 $0x7, v3;
	v4 =	vand.u32 $0xFFFFFFF0, v4  }
0x18: {  	v3 =	vor.u32 v3, v4  }
0x19: {  	v4 =	vperm.xlane v3, v0;
	_ =	sdelay $0x1  }
0x1a: {  	v3 =	vperm.xlane v3, v2;
	v4 =	vadd.s32 v1, v4;
	_ =	sdelay $0x1  }
0x1b: {  	v3 =	vadd.s32 v1, v3;
	_ =	sdelay $0x2  }
0x1c: {  	[tilespmem:s11], [sflag:$0x1] =	stream.indirect_vreg.gather [hbm4b:s1+s3], $0x80, v4, vm0, $0xb8;
	[tilespmem:$0x18180] =	vst v63  }
0x1d: {  	s2 =	simm.s32 $0x900  }
0x1e: {  	[tilespmem:s2], [sflag:$0x1] =	stream.indirect_vreg.gather [hbm4b:s1+s3], $0x80, v3, vm0, $0xb8;
	[tilespmem:$0x18180] =	vst v63  }
0x1f: {  	v3 =	vld [tilespmem:$0x10];
	_ =	sdelay $0x4  }
0x20: {  	v4 =	vshll.u32 v3, $0x1  }
0x21: {  	v3 =	vand.u32 $0x7, v3;
	v4 =	vand.u32 $0xFFFFFFF0, v4  }
0x22: {  	v3 =	vor.u32 v3, v4  }
0x23: {  	v4 =	vperm.xlane v3, v0;
	_ =	sdelay $0x1  }
0x24: {  	v3 =	vperm.xlane v3, v2;
	v4 =	vadd.s32 v1, v4;
	_ =	sdelay $0x1  }
0x25: {  	v3 =	vadd.s32 v1, v3;
	_ =	sdelay $0x1  }
0x26: {  	s31 =	simm.s32 $0x1100  }
0x27: {  	[tilespmem:s31], [sflag:$0x1] =	stream.indirect_vreg.gather [hbm4b:s1+s3], $0x80, v4, vm0, $0xb8;
	[tilespmem:$0x18180] =	vst v63  }
0x28: {  	s26 =	simm.s32 $0x1900  }
0x29: {  	[tilespmem:s26], [sflag:$0x1] =	stream.indirect_vreg.gather [hbm4b:s1+s3], $0x80, v3, vm0, $0xb8;
	[tilespmem:$0x18180] =	vst v63  }
0x2a: {  	v3 =	vld [tilespmem:$0x20];
	_ =	sdelay $0x4  }
0x2b: {  	v4 =	vshll.u32 v3, $0x1  }
0x2c: {  	v3 =	vand.u32 $0x7, v3;
	v4 =	vand.u32 $0xFFFFFFF0, v4  }
0x2d: {  	v3 =	vor.u32 v3, v4  }
0x2e: {  	v4 =	vperm.xlane v3, v0;
	_ =	sdelay $0x1  }
0x2f: {  	v3 =	vperm.xlane v3, v2;
	v4 =	vadd.s32 v1, v4;
	_ =	sdelay $0x1  }
0x30: {  	v3 =	vadd.s32 v1, v3;
	_ =	sdelay $0x1  }
0x31: {  	s30 =	simm.s32 $0x2100  }
0x32: {  	[tilespmem:s30], [sflag:$0x1] =	stream.indirect_vreg.gather [hbm4b:s1+s3], $0x80, v4, vm0, $0xb8;
	[tilespmem:$0x18180] =	vst v63  }
0x33: {  	s31 =	simm.s32 $0x2900  }
0x34: {  	[tilespmem:s31], [sflag:$0x1] =	stream.indirect_vreg.gather [hbm4b:s1+s3], $0x80, v3, vm0, $0xb8;
	[tilespmem:$0x18180] =	vst v63  }
0x35: {  	v3 =	vld [tilespmem:$0x30];
	_ =	sdelay $0x4  }
0x36: {  	v4 =	vshll.u32 v3, $0x1  }
0x37: {  	v3 =	vand.u32 $0x7, v3;
	v4 =	vand.u32 $0xFFFFFFF0, v4  }
0x38: {  	v3 =	vor.u32 v3, v4  }
0x39: {  	v4 =	vperm.xlane v3, v0;
	_ =	sdelay $0x1  }
0x3a: {  	v3 =	vperm.xlane v3, v2;
	v4 =	vadd.s32 v1, v4;
	_ =	sdelay $0x1  }
0x3b: {  	v3 =	vadd.s32 v1, v3;
	_ =	sdelay $0x1  }
0x3c: {  	s26 =	simm.s32 $0x3100  }
0x3d: {  	[tilespmem:s26], [sflag:$0x1] =	stream.indirect_vreg.gather [hbm4b:s1+s3], $0x80, v4, vm0, $0xb8;
	[tilespmem:$0x18180] =	vst v63  }
0x3e: {  	s30 =	simm.s32 $0x3900  }
0x3f: {  	[tilespmem:s30], [sflag:$0x1] =	stream.indirect_vreg.gather [hbm4b:s1+s3], $0x80, v3, vm0, $0xb8;
	[tilespmem:$0x18180] =	vst v63  }
0x40: {  	v3 =	vld [tilespmem:$0x40];
	_ =	sdelay $0x4  }
0x41: {  	v4 =	vshll.u32 v3, $0x1  }
0x42: {  	v3 =	vand.u32 $0x7, v3;
	v4 =	vand.u32 $0xFFFFFFF0, v4  }
0x43: {  	v3 =	vor.u32 v3, v4  }
0x44: {  	v4 =	vperm.xlane v3, v0;
	_ =	sdelay $0x1  }
0x45: {  	v3 =	vperm.xlane v3, v2;
	v4 =	vadd.s32 v1, v4;
	_ =	sdelay $0x1  }
0x46: {  	v3 =	vadd.s32 v1, v3;
	_ =	sdelay $0x1  }
0x47: {  	s31 =	simm.s32 $0x4100  }
0x48: {  	[tilespmem:s31], [sflag:$0x1] =	stream.indirect_vreg.gather [hbm4b:s1+s3], $0x80, v4, vm0, $0xb8;
	[tilespmem:$0x18180] =	vst v63  }
0x49: {  	s26 =	simm.s32 $0x4900  }
0x4a: {  	[tilespmem:s26], [sflag:$0x1] =	stream.indirect_vreg.gather [hbm4b:s1+s3], $0x80, v3, vm0, $0xb8;
	[tilespmem:$0x18180] =	vst v63  }
0x4b: {  	v3 =	vld [tilespmem:$0x50];
	_ =	sdelay $0x4  }
0x4c: {  	v4 =	vshll.u32 v3, $0x1  }
0x4d: {  	v3 =	vand.u32 $0x7, v3;
	v4 =	vand.u32 $0xFFFFFFF0, v4  }
0x4e: {  	v3 =	vor.u32 v3, v4  }
0x4f: {  	v4 =	vperm.xlane v3, v0;
	_ =	sdelay $0x1  }
0x50: {  	v3 =	vperm.xlane v3, v2;
	v4 =	vadd.s32 v1, v4;
	_ =	sdelay $0x1  }
0x51: {  	v3 =	vadd.s32 v1, v3;
	_ =	sdelay $0x1  }
0x52: {  	s30 =	simm.s32 $0x5100  }
0x53: {  	[tilespmem:s30], [sflag:$0x1] =	stream.indirect_vreg.gather [hbm4b:s1+s3], $0x80, v4, vm0, $0xb8;
	[tilespmem:$0x18180] =	vst v63  }
0x54: {  	s31 =	simm.s32 $0x5900  }
0x55: {  	[tilespmem:s31], [sflag:$0x1] =	stream.indirect_vreg.gather [hbm4b:s1+s3], $0x80, v3, vm0, $0xb8;
	[tilespmem:$0x18180] =	vst v63  }
0x56: {  	v3 =	vld [tilespmem:$0x60];
	_ =	sdelay $0x4  }
0x57: {  	v4 =	vshll.u32 v3, $0x1  }
0x58: {  	v3 =	vand.u32 $0x7, v3;
	v4 =	vand.u32 $0xFFFFFFF0, v4  }
0x59: {  	v3 =	vor.u32 v3, v4  }
0x5a: {  	v4 =	vperm.xlane v3, v0;
	_ =	sdelay $0x1  }
0x5b: {  	v3 =	vperm.xlane v3, v2;
	v4 =	vadd.s32 v1, v4;
	_ =	sdelay $0x1  }
0x5c: {  	v3 =	vadd.s32 v1, v3;
	_ =	sdelay $0x1  }
0x5d: {  	s26 =	simm.s32 $0x6100  }
0x5e: {  	[tilespmem:s26], [sflag:$0x1] =	stream.indirect_vreg.gather [hbm4b:s1+s3], $0x80, v4, vm0, $0xb8;
	[tilespmem:$0x18180] =	vst v63  }
0x5f: {  	s30 =	simm.s32 $0x6900  }
0x60: {  	[tilespmem:s30], [sflag:$0x1] =	stream.indirect_vreg.gather [hbm4b:s1+s3], $0x80, v3, vm0, $0xb8;
	[tilespmem:$0x18180] =	vst v63  }
0x61: {  	v3 =	vld [tilespmem:$0x70];
	_ =	sdelay $0x4  }
0x62: {  	v4 =	vshll.u32 v3, $0x1  }
0x63: {  	v3 =	vand.u32 $0x7, v3;
	v4 =	vand.u32 $0xFFFFFFF0, v4  }
0x64: {  	v3 =	vor.u32 v3, v4  }
0x65: {  	v4 =	vperm.xlane v3, v0;
	_ =	sdelay $0x1  }
0x66: {  	v3 =	vperm.xlane v3, v2;
	v4 =	vadd.s32 v1, v4;
	_ =	sdelay $0x1  }
0x67: {  	v3 =	vadd.s32 v1, v3;
	_ =	sdelay $0x1  }
0x68: {  	s31 =	simm.s32 $0x7100  }
0x69: {  	[tilespmem:s31], [sflag:$0x1] =	stream.indirect_vreg.gather [hbm4b:s1+s3], $0x80, v4, vm0, $0xb8;
	[tilespmem:$0x18180] =	vst v63  }
0x6a: {  	s26 =	simm.s32 $0x7900  }
0x6b: {  	[tilespmem:s26], [sflag:$0x1] =	stream.indirect_vreg.gather [hbm4b:s1+s3], $0x80, v3, vm0, $0xb8;
	[tilespmem:$0x18180] =	vst v63  }
0x6c: {  	v3 =	vld [tilespmem:$0x80];
	_ =	sdelay $0x4  }
0x6d: {  	v4 =	vshll.u32 v3, $0x1  }
0x6e: {  	v3 =	vand.u32 $0x7, v3;
	v4 =	vand.u32 $0xFFFFFFF0, v4  }
0x6f: {  	v3 =	vor.u32 v3, v4  }
0x70: {  	v4 =	vperm.xlane v3, v0;
	_ =	sdelay $0x1  }
0x71: {  	v3 =	vperm.xlane v3, v2;
	v4 =	vadd.s32 v1, v4;
	_ =	sdelay $0x1  }
0x72: {  	v3 =	vadd.s32 v1, v3;
	_ =	sdelay $0x1  }
0x73: {  	s30 =	simm.s32 $0x8100  }
0x74: {  	[tilespmem:s30], [sflag:$0x1] =	stream.indirect_vreg.gather [hbm4b:s1+s3], $0x80, v4, vm0, $0xb8;
	[tilespmem:$0x18180] =	vst v63  }
0x75: {  	s31 =	simm.s32 $0x8900  }
0x76: {  	[tilespmem:s31], [sflag:$0x1] =	stream.indirect_vreg.gather [hbm4b:s1+s3], $0x80, v3, vm0, $0xb8;
	[tilespmem:$0x18180] =	vst v63  }
0x77: {  	v3 =	vld [tilespmem:$0x90];
	_ =	sdelay $0x4  }
0x78: {  	v4 =	vshll.u32 v3, $0x1  }
0x79: {  	v3 =	vand.u32 $0x7, v3;
	v4 =	vand.u32 $0xFFFFFFF0, v4  }
0x7a: {  	v3 =	vor.u32 v3, v4  }
0x7b: {  	v4 =	vperm.xlane v3, v0;
	_ =	sdelay $0x1  }
0x7c: {  	v3 =	vperm.xlane v3, v2;
	v4 =	vadd.s32 v1, v4;
	_ =	sdelay $0x1  }
0x7d: {  	v3 =	vadd.s32 v1, v3;
	_ =	sdelay $0x1  }
0x7e: {  	s26 =	simm.s32 $0x9100  }
0x7f: {  	[tilespmem:s26], [sflag:$0x1] =	stream.indirect_vreg.gather [hbm4b:s1+s3], $0x80, v4, vm0, $0xb8;
	[tilespmem:$0x18180] =	vst v63  }
0x80: {  	s30 =	simm.s32 $0x9900  }
0x81: {  	[tilespmem:s30], [sflag:$0x1] =	stream.indirect_vreg.gather [hbm4b:s1+s3], $0x80, v3, vm0, $0xb8;
	[tilespmem:$0x18180] =	vst v63  }
0x82: {  	v3 =	vld [tilespmem:$0xA0];
	_ =	sdelay $0x4  }
0x83: {  	v4 =	vshll.u32 v3, $0x1  }
0x84: {  	v3 =	vand.u32 $0x7, v3;
	v4 =	vand.u32 $0xFFFFFFF0, v4  }
0x85: {  	v3 =	vor.u32 v3, v4  }
0x86: {  	v4 =	vperm.xlane v3, v0;
	_ =	sdelay $0x1  }
0x87: {  	v3 =	vperm.xlane v3, v2;
	v4 =	vadd.s32 v1, v4;
	_ =	sdelay $0x1  }
0x88: {  	v3 =	vadd.s32 v1, v3;
	_ =	sdelay $0x1  }
0x89: {  	s31 =	simm.s32 $0xA100  }
0x8a: {  	[tilespmem:s31], [sflag:$0x1] =	stream.indirect_vreg.gather [hbm4b:s1+s3], $0x80, v4, vm0, $0xb8;
	[tilespmem:$0x18180] =	vst v63  }
0x8b: {  	_ = 	snop  }
0x8c: {  	[tilespmem:s0], [sflag:$0x1] =	stream.indirect_vreg.gather [hbm4b:s1+s3], $0x80, v3, vm0, $0xb8;
	[tilespmem:$0x18180] =	vst v63  }
0x8d: {  	v3 =	vld [tilespmem:$0xB0];
	_ =	sdelay $0x4  }
0x8e: {  	v4 =	vshll.u32 v3, $0x1  }
0x8f: {  	v3 =	vand.u32 $0x7, v3;
	v4 =	vand.u32 $0xFFFFFFF0, v4  }
0x90: {  	v3 =	vor.u32 v3, v4  }
0x91: {  	v4 =	vperm.xlane v3, v0;
	_ =	sdelay $0x1  }
0x92: {  	v3 =	vperm.xlane v3, v2;
	v4 =	vadd.s32 v1, v4;
	_ =	sdelay $0x1  }
0x93: {  	v3 =	vadd.s32 v1, v3;
	_ =	sdelay $0x2  }
0x94: {  	[tilespmem:s12], [sflag:$0x1] =	stream.indirect_vreg.gather [hbm4b:s1+s3], $0x80, v4, vm0, $0xb8;
	[tilespmem:$0x18180] =	vst v63  }
0x95: {  	_ = 	snop  }
0x96: {  	[tilespmem:s13], [sflag:$0x1] =	stream.indirect_vreg.gather [hbm4b:s1+s3], $0x80, v3, vm0, $0xb8;
	[tilespmem:$0x18180] =	vst v63  }
0x97: {  	v3 =	vld [tilespmem:$0xC0];
	_ =	sdelay $0x4  }
0x98: {  	v4 =	vshll.u32 v3, $0x1  }
0x99: {  	v3 =	vand.u32 $0x7, v3;
	v4 =	vand.u32 $0xFFFFFFF0, v4  }
0x9a: {  	v3 =	vor.u32 v3, v4  }
0x9b: {  	v4 =	vperm.xlane v3, v0;
	_ =	sdelay $0x1  }
0x9c: {  	v3 =	vperm.xlane v3, v2;
	v4 =	vadd.s32 v1, v4;
	_ =	sdelay $0x1  }
0x9d: {  	v3 =	vadd.s32 v1, v3;
	_ =	sdelay $0x2  }
0x9e: {  	[tilespmem:s14], [sflag:$0x1] =	stream.indirect_vreg.gather [hbm4b:s1+s3], $0x80, v4, vm0, $0xb8;
	[tilespmem:$0x18180] =	vst v63  }
0x9f: {  	_ = 	snop  }
0xa0: {  	[tilespmem:s15], [sflag:$0x1] =	stream.indirect_vreg.gather [hbm4b:s1+s3], $0x80, v3, vm0, $0xb8;
	[tilespmem:$0x18180] =	vst v63  }
0xa1: {  	v3 =	vld [tilespmem:$0xD0];
	_ =	sdelay $0x4  }
0xa2: {  	v4 =	vshll.u32 v3, $0x1  }
0xa3: {  	v3 =	vand.u32 $0x7, v3;
	v4 =	vand.u32 $0xFFFFFFF0, v4  }
0xa4: {  	v3 =	vor.u32 v3, v4  }
0xa5: {  	v4 =	vperm.xlane v3, v0;
	_ =	sdelay $0x1  }
0xa6: {  	v3 =	vperm.xlane v3, v2;
	v4 =	vadd.s32 v1, v4;
	_ =	sdelay $0x1  }
0xa7: {  	v3 =	vadd.s32 v1, v3;
	_ =	sdelay $0x2  }
0xa8: {  	[tilespmem:s16], [sflag:$0x1] =	stream.indirect_vreg.gather [hbm4b:s1+s3], $0x80, v4, vm0, $0xb8;
	[tilespmem:$0x18180] =	vst v63  }
0xa9: {  	_ = 	snop  }
0xaa: {  	[tilespmem:s17], [sflag:$0x1] =	stream.indirect_vreg.gather [hbm4b:s1+s3], $0x80, v3, vm0, $0xb8;
	[tilespmem:$0x18180] =	vst v63  }
0xab: {  	v3 =	vld [tilespmem:$0xE0];
	_ =	sdelay $0x4  }
0xac: {  	v4 =	vshll.u32 v3, $0x1  }
0xad: {  	v3 =	vand.u32 $0x7, v3;
	v4 =	vand.u32 $0xFFFFFFF0, v4  }
0xae: {  	v3 =	vor.u32 v3, v4  }
0xaf: {  	v4 =	vperm.xlane v3, v0;
	_ =	sdelay $0x1  }
0xb0: {  	v3 =	vperm.xlane v3, v2;
	v4 =	vadd.s32 v1, v4;
	_ =	sdelay $0x1  }
0xb1: {  	v3 =	vadd.s32 v1, v3;
	_ =	sdelay $0x2  }
0xb2: {  	[tilespmem:s18], [sflag:$0x1] =	stream.indirect_vreg.gather [hbm4b:s1+s3], $0x80, v4, vm0, $0xb8;
	[tilespmem:$0x18180] =	vst v63  }
0xb3: {  	_ = 	snop  }
0xb4: {  	[tilespmem:s19], [sflag:$0x1] =	stream.indirect_vreg.gather [hbm4b:s1+s3], $0x80, v3, vm0, $0xb8;
	[tilespmem:$0x18180] =	vst v63  }
0xb5: {  	v3 =	vld [tilespmem:$0xF0];
	_ =	sdelay $0x4  }
0xb6: {  	v4 =	vshll.u32 v3, $0x1  }
0xb7: {  	v3 =	vand.u32 $0x7, v3;
	v4 =	vand.u32 $0xFFFFFFF0, v4  }
0xb8: {  	v3 =	vor.u32 v3, v4  }
0xb9: {  	v4 =	vperm.xlane v3, v0;
	_ =	sdelay $0x1  }
0xba: {  	v3 =	vperm.xlane v3, v2;
	v4 =	vadd.s32 v1, v4;
	_ =	sdelay $0x1  }
0xbb: {  	v3 =	vadd.s32 v1, v3;
	_ =	sdelay $0x2  }
0xbc: {  	[tilespmem:s20], [sflag:$0x1] =	stream.indirect_vreg.gather [hbm4b:s1+s3], $0x80, v4, vm0, $0xb8;
	[tilespmem:$0x18180] =	vst v63  }
0xbd: {  	_ = 	snop  }
0xbe: {  	[tilespmem:s21], [sflag:$0x1] =	stream.indirect_vreg.gather [hbm4b:s1+s3], $0x80, v3, vm0, $0xb8;
	[tilespmem:$0x18180] =	vst v63  }
0xbf: {  	_ =	swait.ge [sflag:s22], $0x10000  }
0xc0: {  	[sflag:s22] =	ssyncset.done $0x0  }
0xc1: {  	[sflag:s22] =	ssyncadd.s32 $0xFFFF0000  }
0xc2: {  	[tilespmem:s23], [sflag:$0x2] =	stream.linear.gather [hbm4b:s4+s3], $0x8000, $0x38;
	[tilespmem:$0x18180] =	vst v63  }
0xc3: {  	_ =	swait.ge [sflag:s10], $0x8000  }
0xc4: {  	s28 =	sand.u32 $0x380, s3;
	s26 =	sand.u32 $0x7800, s3;
	[sflag:s10] =	ssyncset.done $0x0  }
0xc5: {  	s26 =	sor.u32 s28, s26;
	[sflag:s10] =	ssyncadd.s32 $0xFFFF8000  }
0xc6: {  	v3 =	vld [tilespmem:s26+$0x100]  }
0xc7: {  	v4 =	vld [tilespmem:s26+$0x10100]  }
0xc8: {  	v5 =	vld [tilespmem:s26+$0x110]  }
0xc9: {  	v6 =	vld [tilespmem:s26+$0x10110]  }
0xca: {  	v7 =	vld [tilespmem:s26+$0x120]  }
0xcb: {  	v8 =	vld [tilespmem:s26+$0x10120]  }
0xcc: {  	v9 =	vld [tilespmem:s26+$0x130];
	v3 =	vsub.f32 v3, v4  }
0xcd: {  	v10 =	vld [tilespmem:s26+$0x10130]  }
0xce: {  	v11 =	vld [tilespmem:s26+$0x140];
	v5 =	vsub.f32 v5, v6;
	v4 =	vadd.f32 v3, v4  }
0xcf: {  	v12 =	vld [tilespmem:s26+$0x10140];
	v3 =	vmul.f32 v3, v3  }
0xd0: {  	v13 =	vimm.f32 $0.0e+00;
	[tilespmem:s26+$0x100] =	vst v4;
	v4 =	vadd.f32 v5, v6;
	v6 =	vsub.f32 v7, v8;
	v7 =	vld [tilespmem:s26+$0x150]  }
0xd1: {  	v5 =	vmul.f32 v5, v5;
	v3 =	vadd.f32 v3, v13;
	v13 =	vld [tilespmem:s26+$0x10150]  }
0xd2: {  	[tilespmem:s26+$0x110] =	vst v4;
	v4 =	vadd.f32 v6, v8;
	v8 =	vsub.f32 v9, v10;
	v9 =	vld [tilespmem:s26+$0x160]  }
0xd3: {  	v6 =	vmul.f32 v6, v6;
	v3 =	vadd.f32 v5, v3;
	v5 =	vld [tilespmem:s26+$0x10160]  }
0xd4: {  	[tilespmem:s26+$0x120] =	vst v4;
	v4 =	vadd.f32 v8, v10;
	v10 =	vsub.f32 v11, v12;
	v11 =	vld [tilespmem:s26+$0x170]  }
0xd5: {  	v8 =	vmul.f32 v8, v8;
	v3 =	vadd.f32 v6, v3;
	v6 =	vld [tilespmem:s26+$0x10170]  }
0xd6: {  	[tilespmem:s26+$0x130] =	vst v4;
	v4 =	vadd.f32 v10, v12;
	v12 =	vld [tilespmem:s26+$0x500]  }
0xd7: {  	v7 =	vsub.f32 v7, v13;
	v10 =	vmul.f32 v10, v10;
	v3 =	vadd.f32 v8, v3;
	v8 =	vld [tilespmem:s26+$0x10500]  }
0xd8: {  	v14 =	vld [tilespmem:s26+$0x10510];
	[tilespmem:s26+$0x140] =	vst v4;
	v4 =	vsub.f32 v9, v5  }
0xd9: {  	v13 =	vadd.f32 v7, v13;
	v7 =	vmul.f32 v7, v7;
	v9 =	vld [tilespmem:s26+$0x510];
	v3 =	vadd.f32 v10, v3  }
0xda: {  	v10 =	vsub.f32 v11, v6;
	v11 =	vld [tilespmem:s26+$0x520];
	v5 =	vadd.f32 v4, v5  }
0xdb: {  	[tilespmem:s26+$0x150] =	vst v13;
	v13 =	vld [tilespmem:s26+$0x10520];
	v4 =	vmul.f32 v4, v4;
	v3 =	vadd.f32 v7, v3  }
0xdc: {  	[tilespmem:s26+$0x160] =	vst v5;
	v5 =	vadd.f32 v10, v6;
	v6 =	vsub.f32 v12, v8;
	v12 =	vld [tilespmem:s26+$0x530]  }
0xdd: {  	v7 =	vmul.f32 v10, v10;
	v4 =	vadd.f32 v4, v3;
	v3 =	vld [tilespmem:s26+$0x10530]  }
0xde: {  	v10 =	vld [tilespmem:s26+$0x540];
	[tilespmem:s26+$0x170] =	vst v5;
	v5 =	vadd.f32 v6, v8;
	v8 =	vsub.f32 v9, v14  }
0xdf: {  	v6 =	vmul.f32 v6, v6;
	v4 =	vadd.f32 v7, v4;
	v7 =	vld [tilespmem:s26+$0x10540]  }
0xe0: {  	v9 =	vld [tilespmem:s26+$0x10550];
	[tilespmem:s26+$0x500] =	vst v5;
	v5 =	vadd.f32 v8, v14  }
0xe1: {  	v14 =	vsub.f32 v11, v13;
	v11 =	vld [tilespmem:s26+$0x550];
	v8 =	vmul.f32 v8, v8;
	v15 =	vadd.f32 v6, v4  }
0xe2: {  	v4 =	vsub.f32 v12, v3;
	v12 =	vld [tilespmem:s26+$0x10560]  }
0xe3: {  	s29 =	simm.s32 $0x100;
	s28 =	simm.s32 $0x80;
	[tilespmem:s26+$0x510] =	vst v5;
	v5 =	vadd.f32 v14, v13;
	v13 =	vld [tilespmem:s26+$0x560];
	v6 =	vmul.f32 v14, v14;
	v8 =	vadd.f32 v8, v15  }
.LBB2_2:
0xe4: {  	s31 =	smov.u32 s29  }
0xe5: {  	s30 =	sand.u32 $0x7800, s29;
	s2 =	sand.u32 $0x380, s28;
	v14 =	vmul.f32 v4, v4;
	v10 =	vsub.f32 v10, v7;
	v15 =	vld [tilespmem:s26+$0x570];
	s31 =	sadd.s32 $0x100, s29  }
0xe6: {  	p0 =	sne.s32 s29, $0x7F00;
	s30 =	sor.u32 s2, s30;
	v6 =	vadd.f32 v6, v8;
	v8 =	vld [tilespmem:s26+$0x10570]  }
0xe7: {  	v7 =	vadd.f32 v10, v7;
	v10 =	vmul.f32 v10, v10;
	v11 =	vsub.f32 v11, v9;
	v16 =	vld [tilespmem:s30+$0x100]  }
0xe8: {  	v6 =	vadd.f32 v14, v6;
	v17 =	vld [tilespmem:s30+$0x10100]  }
0xe9: {  	v14 =	vld [tilespmem:s30+$0x110];
	[tilespmem:s26+$0x540] =	vst v7;
	v7 =	vadd.f32 v11, v9;
	v9 =	vmul.f32 v11, v11;
	v11 =	vsub.f32 v13, v12  }
0xea: {  	v6 =	vadd.f32 v10, v6;
	v13 =	vld [tilespmem:s30+$0x10110]  }
0xeb: {  	v10 =	vld [tilespmem:s30+$0x120];
	[tilespmem:s26+$0x550] =	vst v7;
	v7 =	vadd.f32 v11, v12;
	v11 =	vmul.f32 v11, v11;
	v12 =	vsub.f32 v15, v8  }
0xec: {  	v6 =	vadd.f32 v9, v6;
	v15 =	vld [tilespmem:s30+$0x10120]  }
0xed: {  	v9 =	vsub.f32 v16, v17;
	v16 =	vld [tilespmem:s30+$0x130];
	[tilespmem:s26+$0x560] =	vst v7;
	v7 =	vadd.f32 v12, v8;
	v8 =	vmul.f32 v12, v12  }
0xee: {  	v6 =	vadd.f32 v11, v6;
	v12 =	vld [tilespmem:s30+$0x10130]  }
0xef: {  	v11 =	vadd.f32 v9, v17;
	v9 =	vmul.f32 v9, v9;
	v14 =	vsub.f32 v14, v13;
	v17 =	vld [tilespmem:s30+$0x140];
	[tilespmem:s26+$0x570] =	vst v7  }
0xf0: {  	v6 =	vadd.f32 v8, v6;
	v7 =	vld [tilespmem:s30+$0x10140]  }
0xf1: {  	[tilespmem:s30+$0x100] =	vst v11;
	v8 =	vadd.f32 v14, v13;
	v11 =	vmul.f32 v14, v14;
	v10 =	vsub.f32 v10, v15;
	v13 =	vld [tilespmem:s30+$0x150]  }
0xf2: {  	v6 =	vadd.f32 v9, v6;
	v9 =	vld [tilespmem:s30+$0x10150]  }
0xf3: {  	[tilespmem:s30+$0x110] =	vst v8;
	v8 =	vadd.f32 v10, v15;
	v10 =	vmul.f32 v10, v10;
	v14 =	vsub.f32 v16, v12;
	v15 =	vld [tilespmem:s30+$0x160]  }
0xf4: {  	v6 =	vadd.f32 v11, v6;
	v11 =	vld [tilespmem:s30+$0x10160]  }
0xf5: {  	[tilespmem:s30+$0x120] =	vst v8;
	v8 =	vadd.f32 v14, v12;
	v12 =	vmul.f32 v14, v14;
	v14 =	vsub.f32 v17, v7;
	v16 =	vld [tilespmem:s30+$0x170]  }
0xf6: {  	v6 =	vadd.f32 v10, v6;
	v10 =	vld [tilespmem:s30+$0x10170]  }
0xf7: {  	[tilespmem:s30+$0x130] =	vst v8;
	v7 =	vadd.f32 v14, v7;
	v8 =	vmul.f32 v14, v14;
	v14 =	vld [tilespmem:s30+$0x500]  }
0xf8: {  	v6 =	vadd.f32 v12, v6;
	v12 =	vsub.f32 v13, v9;
	v13 =	vld [tilespmem:s30+$0x10500]  }
0xf9: {  	v3 =	vadd.f32 v4, v3;
	[tilespmem:s30+$0x140] =	vst v7;
	v7 =	vsub.f32 v15, v11;
	v15 =	vld [tilespmem:s30+$0x510]  }
0xfa: {  	v4 =	vadd.f32 v8, v6;
	v6 =	vadd.f32 v12, v9;
	v8 =	vmul.f32 v12, v12;
	v9 =	vld [tilespmem:s30+$0x10510];
	[tilespmem:s26+$0x520] =	vst v5  }
0xfb: {  	v5 =	vadd.f32 v7, v11;
	v7 =	vmul.f32 v7, v7;
	v11 =	vsub.f32 v16, v10;
	v12 =	vld [tilespmem:s30+$0x520];
	[tilespmem:s26+$0x530] =	vst v3;
	s26 =	smov.u32 s30  }
0xfc: {  	v3 =	vadd.f32 v8, v4;
	[tilespmem:s26+$0x150] =	vst v6;
	v4 =	vld [tilespmem:s26+$0x10520]  }
0xfd: {  	[tilespmem:s26+$0x160] =	vst v5;
	v5 =	vadd.f32 v11, v10;
	v6 =	vmul.f32 v11, v11;
	v8 =	vsub.f32 v14, v13;
	v14 =	vld [tilespmem:s26+$0x530]  }
0xfe: {  	v7 =	vadd.f32 v7, v3;
	v3 =	vld [tilespmem:s26+$0x10530]  }
0xff: {  	[tilespmem:s26+$0x170] =	vst v5;
	v5 =	vadd.f32 v8, v13;
	v8 =	vmul.f32 v8, v8;
	v11 =	vsub.f32 v15, v9;
	v10 =	vld [tilespmem:s26+$0x540]  }
.Ltmp0:
0x100: {  	v6 =	vadd.f32 v6, v7;
	v7 =	vld [tilespmem:s26+$0x10540];
	(pc) =	sbr.rel @p0 .LBB2_2-.Ltmp0, $4  }
0x101: {  	[tilespmem:s26+$0x500] =	vst v5;
	v5 =	vadd.f32 v11, v9;
	v15 =	vmul.f32 v11, v11;
	v12 =	vsub.f32 v12, v4;
	v11 =	vld [tilespmem:s26+$0x550]  }
0x102: {  	v8 =	vadd.f32 v8, v6;
	v9 =	vld [tilespmem:s26+$0x10550]  }
0x103: {  	[tilespmem:s26+$0x510] =	vst v5;
	v5 =	vadd.f32 v12, v4;
	v6 =	vmul.f32 v12, v12;
	v4 =	vsub.f32 v14, v3;
	v13 =	vld [tilespmem:s26+$0x560]  }
0x104: {  	s28 =	sadd.s32 $0x80, s28;
	s29 =	smov.u32 s31;
	v8 =	vadd.f32 v15, v8;
	v12 =	vld [tilespmem:s26+$0x10560]  }
0x105: {  	v14 =	vld [tilespmem:s26+$0x570]  }
0x106: {  	v15 =	vld [tilespmem:s26+$0x10570];
	_ =	sdelay $0x1  }
0x107: {  	v10 =	vsub.f32 v10, v7  }
0x108: {  	v3 =	vadd.f32 v4, v3;
	v11 =	vsub.f32 v11, v9  }
0x109: {  	[tilespmem:s26+$0x520] =	vst v5;
	v7 =	vadd.f32 v10, v7;
	v13 =	vsub.f32 v13, v12  }
0x10a: {  	[tilespmem:s26+$0x530] =	vst v3;
	v9 =	vadd.f32 v11, v9;
	v14 =	vsub.f32 v14, v15  }
0x10b: {  	[tilespmem:s26+$0x540] =	vst v7;
	v7 =	vadd.f32 v13, v12  }
0x10c: {  	[tilespmem:s26+$0x550] =	vst v9;
	v9 =	vadd.f32 v14, v15  }
0x10d: {  	[tilespmem:s26+$0x560] =	vst v7  }
0x10e: {  	s2 =	simm.s32 $0x0;
	[tilespmem:s26+$0x570] =	vst v9  }
0x10f: {  	[tilespmem:s23], [sflag:$0x2] =	stream.linear.gather [hbm4b:s6+s2], $0x8000, $0x38;
	[tilespmem:$0x18180] =	vst v63  }
0x110: {  	_ =	swait.ge [sflag:s10], $0x8000  }
0x111: {  	s30 =	sand.u32 $0x7800, s2;
	s2 =	sand.u32 $0x380, s2;
	[sflag:s10] =	ssyncset.done $0x0  }
0x112: {  	s26 =	sor.u32 s2, s30;
	[sflag:s10] =	ssyncadd.s32 $0xFFFF8000  }
0x113: {  	v3 =	vld [tilespmem:s26+$0x8100]  }
0x114: {  	v5 =	vld [tilespmem:s26+$0x10100];
	_ =	sdelay $0x1  }
0x115: {  	v7 =	vld [tilespmem:s26+$0x8110]  }
0x116: {  	v9 =	vld [tilespmem:s26+$0x10110];
	_ =	sdelay $0x1  }
0x117: {  	v12 =	vld [tilespmem:s26+$0x8120];
	v3 =	vsub.f32 v3, v5  }
0x118: {  	v15 =	vld [tilespmem:s26+$0x10120]  }
0x119: {  	v4 =	vmul.f32 v4, v4;
	v6 =	vadd.f32 v6, v8;
	v5 =	vadd.f32 v3, v5  }
0x11a: {  	v7 =	vsub.f32 v7, v9  }
0x11b: {  	v4 =	vadd.f32 v4, v6;
	[tilespmem:s26+$0x8100] =	vst v5;
	v5 =	vmul.f32 v10, v10  }
0x11c: {  	v16 =	vld [tilespmem:s26+$0x8130];
	v6 =	vadd.f32 v7, v9  }
0x11d: {  	v18 =	vld [tilespmem:s26+$0x8140];
	v10 =	vsub.f32 v12, v15;
	v4 =	vadd.f32 v5, v4;
	v5 =	vmul.f32 v11, v11  }
0x11e: {  	v8 =	vld [tilespmem:s26+$0x10140]  }
0x11f: {  	v13 =	vmul.f32 v13, v13;
	v17 =	vld [tilespmem:s26+$0x10130];
	[tilespmem:s26+$0x8110] =	vst v6;
	v6 =	vadd.f32 v10, v15;
	v4 =	vadd.f32 v5, v4  }
0x120: {  	v9 =	vld [tilespmem:s26+$0x8150]  }
0x121: {  	v12 =	vld [tilespmem:s26+$0x10150];
	[tilespmem:s26+$0x8120] =	vst v6;
	v6 =	vmul.f32 v14, v14;
	v4 =	vadd.f32 v13, v4  }
0x122: {  	v11 =	vld [tilespmem:s26+$0x8160]  }
0x123: {  	v61 =	vsub.f32 v18, v8;
	v3 =	vmul.f32 v3, v3;
	v15 =	vld [tilespmem:s26+$0x10160];
	v4 =	vadd.f32 v6, v4;
	_ =	sdelay $0x1  }
0x124: {  	v7 =	vmul.f32 v7, v7;
	v6 =	vadd.f32 v61, v8;
	v3 =	vadd.f32 v3, v4  }
0x125: {  	v5 =	vsub.f32 v16, v17  }
0x126: {  	v62 =	vld [tilespmem:s26+$0x10170];
	v9 =	vsub.f32 v9, v12;
	[tilespmem:s26+$0x8140] =	vst v6;
	v6 =	vmul.f32 v10, v10;
	v3 =	vadd.f32 v7, v3  }
0x127: {  	v13 =	vadd.f32 v5, v17;
	v8 =	vld [tilespmem:s26+$0x8500];
	v10 =	vsub.f32 v11, v15  }
0x128: {  	v5 =	vmul.f32 v5, v5;
	v4 =	vld [tilespmem:s26+$0x10500];
	v11 =	vadd.f32 v9, v12;
	v3 =	vadd.f32 v6, v3  }
0x129: {  	v14 =	vld [tilespmem:s26+$0x8170]  }
0x12a: {  	[tilespmem:s26+$0x8150] =	vst v11;
	v11 =	vmul.f32 v61, v61;
	v6 =	vadd.f32 v10, v15;
	v3 =	vadd.f32 v5, v3  }
0x12b: {  	v12 =	vld [tilespmem:s26+$0x10510]  }
0x12c: {  	v9 =	vmul.f32 v9, v9;
	v7 =	vld [tilespmem:s26+$0x8510];
	[tilespmem:s26+$0x8160] =	vst v6;
	v6 =	vadd.f32 v11, v3  }
0x12d: {  	[tilespmem:s26+$0x8130] =	vst v13;
	v13 =	vld [tilespmem:s26+$0x8520];
	v63 =	vsub.f32 v8, v4  }
0x12e: {  	v10 =	vmul.f32 v10, v10;
	v5 =	vsub.f32 v14, v62;
	v14 =	vld [tilespmem:s26+$0x10520];
	v6 =	vadd.f32 v9, v6  }
0x12f: {  	v15 =	vld [tilespmem:s26+$0x8530];
	v4 =	vadd.f32 v63, v4  }
0x130: {  	v8 =	vld [tilespmem:s26+$0x8540];
	v11 =	vadd.f32 v5, v62;
	v5 =	vmul.f32 v5, v5;
	v9 =	vadd.f32 v10, v6  }
0x131: {  	v3 =	vld [tilespmem:s26+$0x10530];
	v10 =	vsub.f32 v7, v12  }
0x132: {  	[tilespmem:s26+$0x8500] =	vst v4;
	v4 =	vmul.f32 v63, v63;
	v6 =	vld [tilespmem:s26+$0x10540];
	v5 =	vadd.f32 v5, v9  }
0x133: {  	[tilespmem:s26+$0x8170] =	vst v11;
	v7 =	vld [tilespmem:s26+$0x10550];
	v11 =	vadd.f32 v10, v12;
	v12 =	vsub.f32 v13, v14  }
0x134: {  	v9 =	vld [tilespmem:s26+$0x8550];
	v10 =	vmul.f32 v10, v10;
	v13 =	vadd.f32 v4, v5  }
0x135: {  	[tilespmem:s26+$0x8510] =	vst v11;
	v4 =	vadd.f32 v12, v14;
	v11 =	vld [tilespmem:s26+$0x8560]  }
0x136: {  	s31 =	simm.s32 $0x100;
	s28 =	simm.s32 $0x80;
	v12 =	vmul.f32 v12, v12;
	v5 =	vsub.f32 v15, v3;
	v13 =	vadd.f32 v10, v13;
	v10 =	vld [tilespmem:s26+$0x10560]  }
.LBB2_4:
0x137: {  	s29 =	smov.u32 s31  }
0x138: {  	s2 =	sand.u32 $0x7800, s31;
	s30 =	sand.u32 $0x380, s28;
	v14 =	vmul.f32 v5, v5;
	v8 =	vsub.f32 v8, v6;
	v15 =	vld [tilespmem:s26+$0x8570];
	s29 =	sadd.s32 $0x100, s31  }
0x139: {  	p0 =	sne.s32 s31, $0x7F00;
	s30 =	sor.u32 s30, s2;
	v12 =	vadd.f32 v12, v13;
	v13 =	vld [tilespmem:s26+$0x10570]  }
0x13a: {  	v6 =	vadd.f32 v8, v6;
	v8 =	vmul.f32 v8, v8;
	v9 =	vsub.f32 v9, v7;
	v16 =	vld [tilespmem:s30+$0x8100]  }
0x13b: {  	v12 =	vadd.f32 v14, v12;
	v17 =	vld [tilespmem:s30+$0x10100]  }
0x13c: {  	v14 =	vld [tilespmem:s30+$0x8110];
	[tilespmem:s26+$0x8540] =	vst v6;
	v6 =	vadd.f32 v9, v7;
	v7 =	vmul.f32 v9, v9;
	v9 =	vsub.f32 v11, v10  }
0x13d: {  	v8 =	vadd.f32 v8, v12;
	v11 =	vld [tilespmem:s30+$0x10110]  }
0x13e: {  	v12 =	vld [tilespmem:s30+$0x8120];
	[tilespmem:s26+$0x8550] =	vst v6;
	v6 =	vadd.f32 v9, v10;
	v9 =	vmul.f32 v9, v9;
	v10 =	vsub.f32 v15, v13  }
0x13f: {  	v7 =	vadd.f32 v7, v8;
	v15 =	vld [tilespmem:s30+$0x10120]  }
0x140: {  	v8 =	vsub.f32 v16, v17;
	v16 =	vld [tilespmem:s30+$0x8130];
	[tilespmem:s26+$0x8560] =	vst v6;
	v6 =	vadd.f32 v10, v13;
	v10 =	vmul.f32 v10, v10  }
0x141: {  	v7 =	vadd.f32 v9, v7;
	v13 =	vld [tilespmem:s30+$0x10130]  }
0x142: {  	v9 =	vadd.f32 v8, v17;
	v8 =	vmul.f32 v8, v8;
	v14 =	vsub.f32 v14, v11;
	v17 =	vld [tilespmem:s30+$0x8140];
	[tilespmem:s26+$0x8570] =	vst v6  }
0x143: {  	v7 =	vadd.f32 v10, v7;
	v6 =	vld [tilespmem:s30+$0x10140]  }
0x144: {  	[tilespmem:s30+$0x8100] =	vst v9;
	v9 =	vadd.f32 v14, v11;
	v10 =	vmul.f32 v14, v14;
	v11 =	vsub.f32 v12, v15;
	v12 =	vld [tilespmem:s30+$0x8150]  }
0x145: {  	v7 =	vadd.f32 v8, v7;
	v8 =	vld [tilespmem:s30+$0x10150]  }
0x146: {  	[tilespmem:s30+$0x8110] =	vst v9;
	v9 =	vadd.f32 v11, v15;
	v11 =	vmul.f32 v11, v11;
	v14 =	vsub.f32 v16, v13;
	v15 =	vld [tilespmem:s30+$0x8160]  }
0x147: {  	v7 =	vadd.f32 v10, v7;
	v10 =	vld [tilespmem:s30+$0x10160]  }
0x148: {  	[tilespmem:s30+$0x8120] =	vst v9;
	v9 =	vadd.f32 v14, v13;
	v13 =	vmul.f32 v14, v14;
	v14 =	vsub.f32 v17, v6;
	v16 =	vld [tilespmem:s30+$0x8170]  }
0x149: {  	v7 =	vadd.f32 v11, v7;
	v11 =	vld [tilespmem:s30+$0x10170]  }
0x14a: {  	[tilespmem:s30+$0x8130] =	vst v9;
	v6 =	vadd.f32 v14, v6;
	v9 =	vmul.f32 v14, v14;
	v14 =	vld [tilespmem:s30+$0x8500]  }
0x14b: {  	v7 =	vadd.f32 v13, v7;
	v12 =	vsub.f32 v12, v8;
	v13 =	vld [tilespmem:s30+$0x10500]  }
0x14c: {  	v3 =	vadd.f32 v5, v3;
	[tilespmem:s30+$0x8140] =	vst v6;
	v6 =	vsub.f32 v15, v10;
	v15 =	vld [tilespmem:s30+$0x8510]  }
0x14d: {  	v5 =	vadd.f32 v9, v7;
	v7 =	vadd.f32 v12, v8;
	v8 =	vmul.f32 v12, v12;
	v9 =	vld [tilespmem:s30+$0x10510];
	[tilespmem:s26+$0x8520] =	vst v4  }
0x14e: {  	v4 =	vadd.f32 v6, v10;
	v6 =	vmul.f32 v6, v6;
	v10 =	vsub.f32 v16, v11;
	v12 =	vld [tilespmem:s30+$0x8520];
	[tilespmem:s26+$0x8530] =	vst v3;
	s26 =	smov.u32 s30  }
0x14f: {  	v3 =	vadd.f32 v8, v5;
	[tilespmem:s26+$0x8150] =	vst v7;
	v5 =	vld [tilespmem:s26+$0x10520]  }
0x150: {  	[tilespmem:s26+$0x8160] =	vst v4;
	v4 =	vadd.f32 v10, v11;
	v7 =	vmul.f32 v10, v10;
	v8 =	vsub.f32 v14, v13;
	v10 =	vld [tilespmem:s26+$0x8530]  }
0x151: {  	v6 =	vadd.f32 v6, v3;
	v3 =	vld [tilespmem:s26+$0x10530]  }
0x152: {  	[tilespmem:s26+$0x8170] =	vst v4;
	v4 =	vadd.f32 v8, v13;
	v11 =	vmul.f32 v8, v8;
	v13 =	vsub.f32 v15, v9;
	v8 =	vld [tilespmem:s26+$0x8540]  }
.Ltmp1:
0x153: {  	v7 =	vadd.f32 v7, v6;
	v6 =	vld [tilespmem:s26+$0x10540];
	(pc) =	sbr.rel @p0 .LBB2_4-.Ltmp1, $4  }
0x154: {  	[tilespmem:s26+$0x8500] =	vst v4;
	v4 =	vadd.f32 v13, v9;
	v13 =	vmul.f32 v13, v13;
	v12 =	vsub.f32 v12, v5;
	v9 =	vld [tilespmem:s26+$0x8550]  }
0x155: {  	v14 =	vadd.f32 v11, v7;
	v7 =	vld [tilespmem:s26+$0x10550]  }
0x156: {  	[tilespmem:s26+$0x8510] =	vst v4;
	v4 =	vadd.f32 v12, v5;
	v12 =	vmul.f32 v12, v12;
	v5 =	vsub.f32 v10, v3;
	v11 =	vld [tilespmem:s26+$0x8560]  }
0x157: {  	s28 =	sadd.s32 $0x80, s28;
	s31 =	smov.u32 s29;
	v13 =	vadd.f32 v13, v14;
	v10 =	vld [tilespmem:s26+$0x10560]  }
0x158: {  	_ = 	snop  }
0x159: {  	v14 =	vld [tilespmem:s26+$0x8570];
	v15 =	vmul.f32 v5, v5;
	v8 =	vsub.f32 v8, v6;
	v12 =	vadd.f32 v12, v13  }
0x15a: {  	v55 =	vld [tilespmem:s26+$0x10570]  }
0x15b: {  	v56 =	vmul.f32 v8, v8;
	v9 =	vsub.f32 v9, v7;
	v12 =	vadd.f32 v15, v12;
	_ =	sdelay $0x1  }
0x15c: {  	v57 =	vmul.f32 v9, v9;
	v11 =	vsub.f32 v11, v10;
	v12 =	vadd.f32 v56, v12  }
0x15d: {  	v3 =	vadd.f32 v5, v3;
	v6 =	vadd.f32 v8, v6  }
0x15e: {  	[tilespmem:s26+$0x8520] =	vst v4;
	v58 =	vsub.f32 v14, v55;
	v60 =	vmul.f32 v11, v11;
	v8 =	vadd.f32 v57, v12  }
0x15f: {  	[tilespmem:s26+$0x8530] =	vst v3;
	v7 =	vadd.f32 v9, v7  }
0x160: {  	[tilespmem:s26+$0x8540] =	vst v6;
	v59 =	vadd.f32 v11, v10;
	v62 =	vmul.f32 v58, v58;
	v8 =	vadd.f32 v60, v8  }
0x161: {  	[tilespmem:s26+$0x8550] =	vst v7;
	v61 =	vadd.f32 v58, v55  }
0x162: {  	[tilespmem:s26+$0x8560] =	vst v59;
	v63 =	vadd.f32 v62, v8  }
0x163: {  	[tilespmem:s26+$0x8570] =	vst v61  }
0x164: {  	[tilespmem:$0x18100] =	vst v63  }
0x165: {  	[hbm4b:s7+s3] =	stream.linear.scatter [tilespmem:s11], [sflag:$0x2], $0x10000, $0x38;
	[tilespmem:$0x18180] =	vst v63  }
0x166: {  	s25 =	sadd.s32 $0x1, s25;
	_ =	swait.ge [sflag:s10], $0x10000  }
0x167: {  	p0 =	sne.s32 s25, s9;
	[sflag:s10] =	ssyncset.done $0x0  }
.Ltmp2:
0x168: {  	[sflag:s10] =	ssyncadd.s32 $0xFFFF0000;
	(pc) =	sbr.rel @p0 .LBB2_1-.Ltmp2, $4  }
0x169: {  	[hbm4b:s8+s3] =	stream.linear.scatter [tilespmem:s24], [sflag:$0x2], $0x80, $0x38;
	[tilespmem:$0x18180] =	vst v63  }
0x16a: {  	_ =	swait.ge [sflag:s10], $0x80  }
0x16b: {  	[sflag:s10] =	ssyncset.done $0x0  }
0x16c: {  	[sflag:s10] =	ssyncadd.s32 $0xFFFFFF80  }
0x16d: {  	_ =	sfence.sel $0x180000  }
0x16e: {  	[bflag:$0x0] =	sbarrier.arrive $0xFFFF  }
0x16f: {  	_ =	strace $0x90000047  }
0x170: {  	s0 =	stileid.u32;
	[bflag:$0x2] =	sbarrier.arrive $0xFFFF  }
0x171: {  	p0 =	sne.s32 s0, $0x0;
	s0 =	rddreg [dreg:$0x4]  }
0x172: {  	s0 =	sadd.s32 @!p0 $0x100000, s0  }
0x173: {  	[sflag:s0] =	ssyncadd.tile.s32 @!p0 $0x1;
	_ =	shalt  }
.Lfunc_end2:
_tile_overlayer_lowered:
.L_overlay_start_2:
0x174: {  	(tag) =	ssettag $0x2  }
0x175: {  	s0 =	rddreg [dreg:$0x0];
	s2 =	stileid.u32  }
0x176: {  	s1 =	rddreg [dreg:$0x1];
	p0 =	sne.s32 s2, $0x0  }
0x177: {  	s3 =	rddreg [dreg:$0x2];
	[bflag:$0x3] =	sbarrier.arrive $0xFFFF;
	s2 =	simm.s32 @!p0 $0x1C02  }
0x178: {  	[timem:s3], [sflag:s2] =	dma.local @!p0 [hbm:s0], s1  }
0x179: {  	s0 =	simm.s32 @!p0 $0x2  }
0x17a: {  	_ =	swait.ge @!p0 [sflag:s0], s1  }
0x17b: {  	s1 =	ssub.s32 @!p0 $0x0, s1;
	[sflag:s0] =	ssyncset.done @!p0 $0x0  }
0x17c: {  	[sflag:s0] =	ssyncadd.s32 @!p0 s1  }
0x17d: {  	[bflag:$0x3] =	sbarrier.arrive $0xFFFF  }
0x17e: {  	_ =	shalt  }

</sc_bundles>
